<compile_context>
chip_gen: v7x
topology: tpu7x:2x2x1
jax: 0.10.2.dev20260603
libtpu: 0.0.44.dev20260713+nightly
codegen_flags: <defaults>
</compile_context>

<pallas_src>
import numpy as np
import jax
import jax.numpy as jnp
from jax import lax
from jax.experimental import pallas as pl
from jax.experimental.pallas import tpu as pltpu
from jax.experimental.pallas import tpu_sc as plsc

N_BINS = 10
NC = 2
NS = 16
L = 16
NW = NC * NS
ROWS = 32 * 512
COLS = 512
ROWS_SC = 10240
ROWS_TC = ROWS - ROWS_SC
ROWS_W = ROWS_SC // NW
CROWS = 32
NCHUNK = ROWS_W // CROWS
VPC = CROWS * COLS // L
TC_BR = 512
TC_G = ROWS_TC // TC_BR

_START = -1e-6
_INV_STEP = np.float32(1.0 / ((1.0 - _START) / 10.0))
_C0 = np.float32(-_START * (1.0 / ((1.0 - _START) / 10.0)))
_MAGIC = np.float32(12582912.0)


def _body(o_hbm, l_hbm, he_hbm, out_hbm,
          obuf0, obuf1, lbuf0, lbuf1, htab, ptab, ttab, pbuf,
          so0, so1, sl0, sl1):
    wid = lax.axis_index("s") * NC + lax.axis_index("c")
    base = wid * ROWS_W
    obufs = (obuf0, obuf1)
    lbufs = (lbuf0, lbuf1)
    sos = (so0, so1)
    sls = (sl0, sl1)

    pltpu.sync_copy(he_hbm, htab)

    zf = jnp.zeros((L,), jnp.float32)
    zi = jnp.zeros((L,), jnp.int32)
    for ln in range(NS):
        ptab[pl.ds(ln * L, L)] = zf
        ttab[pl.ds(ln * L, L)] = zi

    lane_base = lax.iota(jnp.int32, L) * L
    lane_m1 = lane_base - 1

    def start(s, g):
        r0 = base + g * CROWS
        pltpu.async_copy(o_hbm.at[pl.ds(r0, CROWS)], obufs[s], sos[s])
        pltpu.async_copy(l_hbm.at[pl.ds(r0, CROWS)], lbufs[s], sls[s])

    def wait(s):
        pltpu.make_async_copy(o_hbm.at[pl.ds(0, CROWS)], obufs[s], sos[s]).wait()
        pltpu.make_async_copy(l_hbm.at[pl.ds(0, CROWS)], lbufs[s], sls[s]).wait()

    htab_vec = htab[pl.ds(0, L)]
    gdn = lax.GatherDimensionNumbers(
        offset_dims=(), collapsed_slice_dims=(0,), start_index_map=(0,))

    def compute(s):
        obuf = obufs[s]
        lbuf = lbufs[s]

        @plsc.parallel_loop(0, VPC, unroll=8)
        def _(i):
            r = lax.shift_right_logical(i, 5)
            c = jnp.bitwise_and(i, 31) * L
            x = obuf[r, pl.ds(c, L)]
            lb = lbuf[r, pl.ds(c, L)]
            y = (x * _INV_STEP + _C0) + _MAGIC
            cand = jnp.bitwise_and(plsc.bitcast(y, jnp.int32), 15)
            hi = lax.gather(htab_vec, cand[:, None], dimension_numbers=gdn,
                            slice_sizes=(1,),
                            mode=lax.GatherScatterMode.PROMISE_IN_BOUNDS)
            idx = cand + jnp.where(x <= hi, lane_m1, lane_base)
            plsc.addupdate_scatter(ptab, [idx], x)
            tc = jnp.where(lb > 0.5, jnp.int32(65537), jnp.int32(1))
            plsc.addupdate_scatter(ttab, [idx], tc)

    start(0, 0)
    start(1, 1)

    def outer(h, _):
        for s in range(2):
            g = h * 2 + s
            wait(s)
            compute(s)

            @pl.when(g + 2 < NCHUNK)
            def _():
                start(s, g + 2)
        return 0

    lax.fori_loop(0, NCHUNK // 2, outer, 0)

    pacc = jnp.zeros((L,), jnp.float32)
    cacc = jnp.zeros((L,), jnp.int32)
    tacc = jnp.zeros((L,), jnp.int32)
    for ln in range(NS):
        pacc = pacc + ptab[pl.ds(ln * L, L)]
        tv = ttab[pl.ds(ln * L, L)]
        cacc = cacc + jnp.bitwise_and(tv, 0xFFFF)
        tacc = tacc + lax.shift_right_logical(tv, 16)
    pbuf[pl.ds(0, L)] = pacc
    pbuf[pl.ds(L, L)] = tacc.astype(jnp.float32)
    pbuf[pl.ds(2 * L, L)] = cacc.astype(jnp.float32)
    pltpu.sync_copy(pbuf, out_hbm.at[wid])


def _tc_body(hb_ref, x_ref, lb_ref, out_ref):
    x = x_ref[...]
    lb = lb_ref[...]
    lmf = (lb > 0.5).astype(jnp.float32)
    for j in range(N_BINS - 1):
        hj = hb_ref[j + 1]
        mf = (x > hj).astype(jnp.float32)
        out_ref[0, j, :] = jnp.sum(x * mf, axis=0)
        out_ref[0, 9 + j, :] = jnp.sum(mf, axis=0)
        out_ref[0, 18 + j, :] = jnp.sum(lmf * mf, axis=0)
    out_ref[0, 27, :] = jnp.sum(x, axis=0)
    out_ref[0, 28, :] = jnp.sum(lmf, axis=0)
    out_ref[0, 29, :] = jnp.zeros((COLS,), jnp.float32)
    out_ref[0, 30, :] = jnp.zeros((COLS,), jnp.float32)
    out_ref[0, 31, :] = jnp.zeros((COLS,), jnp.float32)


def kernel(outputs, labels):
    o2 = outputs.reshape(ROWS, COLS)
    l2 = labels.reshape(ROWS, COLS)
    linspace = jnp.linspace(-1e-06, 1.0, N_BINS + 1)
    high_ext = jnp.concatenate([
        jnp.array([-jnp.inf], jnp.float32),
        linspace[1:].astype(jnp.float32),
        jnp.full((L - N_BINS - 1,), jnp.inf, jnp.float32),
    ])

    k = pl.kernel(
        _body,
        out_type=jax.ShapeDtypeStruct((NW, 3 * L), jnp.float32),
        mesh=plsc.VectorSubcoreMesh(core_axis_name="c", subcore_axis_name="s"),
        compiler_params=pltpu.CompilerParams(needs_layout_passes=False),
        scratch_types=[
            pltpu.VMEM((CROWS, COLS), jnp.float32),
            pltpu.VMEM((CROWS, COLS), jnp.float32),
            pltpu.VMEM((CROWS, COLS), jnp.float32),
            pltpu.VMEM((CROWS, COLS), jnp.float32),
            pltpu.VMEM((L,), jnp.float32),
            pltpu.VMEM((NS * L,), jnp.float32),
            pltpu.VMEM((NS * L,), jnp.int32),
            pltpu.VMEM((3 * L,), jnp.float32),
            pltpu.SemaphoreType.DMA,
            pltpu.SemaphoreType.DMA,
            pltpu.SemaphoreType.DMA,
            pltpu.SemaphoreType.DMA,
        ],
    )
    k_tc = pl.pallas_call(
        _tc_body,
        grid=(TC_G,),
        in_specs=[
            pl.BlockSpec(memory_space=pltpu.SMEM),
            pl.BlockSpec((TC_BR, COLS), lambda g: (ROWS_SC // TC_BR + g, 0)),
            pl.BlockSpec((TC_BR, COLS), lambda g: (ROWS_SC // TC_BR + g, 0)),
        ],
        out_specs=pl.BlockSpec((1, 32, COLS), lambda g: (g, 0, 0)),
        out_shape=jax.ShapeDtypeStruct((TC_G, 32, COLS), jnp.float32),
    )

    parts = k(o2, l2, high_ext)
    tc_out = k_tc(high_ext, o2, l2)

    s = parts.sum(axis=0)
    sc_prob = s[0:N_BINS]
    sc_tp = s[L:L + N_BINS]
    sc_cnt = s[2 * L:2 * L + N_BINS]

    t = tc_out.sum(axis=(0, 2))
    P, C, TP = t[0:9], t[9:18], t[18:27]
    TX, TL = t[27], t[28]
    n_tc = jnp.float32(ROWS_TC * COLS)
    tc_prob = jnp.concatenate([(TX - P[0])[None], P[0:8] - P[1:9], P[8:9]])
    tc_cnt = jnp.concatenate([(n_tc - C[0])[None], C[0:8] - C[1:9], C[8:9]])
    tc_tp = jnp.concatenate([(TL - TP[0])[None], TP[0:8] - TP[1:9], TP[8:9]])

    return sc_prob + tc_prob, sc_tp + tc_tp, sc_cnt + tc_cnt

# --- scband reference (transcript-rebuilt; emitter-appended) ---
"""Pipeline reference for scband-calibration-curve-51041391345836 (READ-ONLY COPY).

The authoritative reference and input builder live on the scoring server;
editing this copy changes nothing except your own understanding.
"""

import jax, jax.numpy as jnp
import numpy as np

N_BINS = 10
THRESHOLD = 0.5
FOR_NEG_CLASS = False


def setup_inputs(seed: int = 0) -> dict:
    key = jax.random.key(seed)
    k1, k2 = jax.random.split(key)
    outputs = jax.random.uniform(k1, (32, 512, 512), dtype=jnp.float32)
    labels = jax.random.uniform(k2, (32, 512, 512), dtype=jnp.float32)
    return {"outputs": outputs, "labels": labels}


def reference(outputs, labels):
    # Faithful translation of CalibrationCurve.update starting from zeroed buffers.
    # Bins are defined by linspace(-1e-6, 1, n_bins+1); element belongs to bin i iff
    # low[i] < x <= high[i]. Since bins are contiguous, this is equivalent to
    # searchsorted over the upper bounds (side='left' gives first i with x <= high[i]).
    n_bins = N_BINS
    if FOR_NEG_CLASS:
        outputs = 1.0 - outputs
        labels = 1.0 - labels
    linspace = jnp.linspace(-1e-06, 1.0, n_bins + 1)
    high_bound = linspace[1:]
    flat_out = outputs.reshape(-1)
    flat_lab = labels.reshape(-1)
    bin_id = jnp.clip(jnp.searchsorted(high_bound, flat_out, side='left'), 0, n_bins - 1)
    prob_sum = jax.ops.segment_sum(flat_out, bin_id, num_segments=n_bins)
    tp_sum = jax.ops.segment_sum((flat_lab > THRESHOLD).astype(jnp.float32), bin_id, num_segments=n_bins)
    count = jax.ops.segment_sum(jnp.ones_like(flat_out), bin_id, num_segments=n_bins)
    return prob_sum, tp_sum, count

if __name__ == "__main__":
    import jax
    _d = setup_inputs()
    print(jax.jit(kernel)(*tuple(_d.values())))

</pallas_src>

<mosaic_0001>
#map = affine_map<(d0, d1) -> (0, 0)>
#map1 = affine_map<(d0, d1) -> (0)>
module attributes {stable_mosaic.version = 14 : i64} {
  func.func @_body(%arg0: i32, %arg1: i32, %arg2: memref<16384x512xf32, #tpu.memory_space<hbm>>, %arg3: memref<16384x512xf32, #tpu.memory_space<hbm>>, %arg4: memref<16xf32, #tpu.memory_space<hbm>>, %arg5: memref<32x48xf32, #tpu.memory_space<hbm>>, %arg6: memref<32x512xf32, #tpu.memory_space<vmem>>, %arg7: memref<32x512xf32, #tpu.memory_space<vmem>>, %arg8: memref<32x512xf32, #tpu.memory_space<vmem>>, %arg9: memref<32x512xf32, #tpu.memory_space<vmem>>, %arg10: memref<16xf32, #tpu.memory_space<vmem>>, %arg11: memref<256xf32, #tpu.memory_space<vmem>>, %arg12: memref<256xi32, #tpu.memory_space<vmem>>, %arg13: memref<48xf32, #tpu.memory_space<vmem>>, %arg14: memref<!tpu.dma_semaphore, #tpu.memory_space<semaphore_mem>>, %arg15: memref<!tpu.dma_semaphore, #tpu.memory_space<semaphore_mem>>, %arg16: memref<!tpu.dma_semaphore, #tpu.memory_space<semaphore_mem>>, %arg17: memref<!tpu.dma_semaphore, #tpu.memory_space<semaphore_mem>>) attributes {dimension_semantics = [#tpu.dimension_semantics<core_parallel>, #tpu.dimension_semantics<subcore_parallel>], iteration_bounds = array<i64: 2, 16>, scalar_prefetch = 0 : i64, scratch_operands = 12 : i64, tpu.core_type = #tpu.core_type<sc_vector_subcore>, window_params = [{transform_indices = #map}, {transform_indices = #map}, {transform_indices = #map1}, {transform_indices = #map}]} {
    %mul3A = arith.constant 2 : i32
    %mul3A_0 = arith.muli %arg1, %mul3A : i32
    %add3A = arith.addi %mul3A_0, %arg0 : i32
    %mul3A_1 = arith.constant 320 : i32
    %mul3A_2 = arith.muli %add3A, %mul3A_1 : i32
    "tpu.region"() ({
      %run_scoped3A = tpu.sem_alloc : memref<!tpu.dma_semaphore, #tpu.memory_space<semaphore_mem>>
      tpu.enqueue_dma source(%arg4 : memref<16xf32, #tpu.memory_space<hbm>>) target(%arg10 : memref<16xf32, #tpu.memory_space<vmem>>) target_semaphore(%run_scoped3A : memref<!tpu.dma_semaphore, #tpu.memory_space<semaphore_mem>>)
      tpu.wait_dma2 semaphore(%run_scoped3A : memref<!tpu.dma_semaphore, #tpu.memory_space<semaphore_mem>>) src(%arg4 : memref<16xf32, #tpu.memory_space<hbm>>) dst(%arg10 : memref<16xf32, #tpu.memory_space<vmem>>)
      tpu.yield
    }) : () -> ()
    %broadcast_in_dim3A = arith.constant 0.000000e+00 : f32
    %broadcast_in_dim3A_3 = vector.broadcast %broadcast_in_dim3A : f32 to vector<16xf32>
    %broadcast_in_dim3A_4 = arith.constant 0 : i32
    %broadcast_in_dim3A_5 = vector.broadcast %broadcast_in_dim3A_4 : i32 to vector<16xi32>
    %swap3A = arith.constant 0 : index
    %swap3A_6 = tpu.vector_load %arg11[%swap3A] {strides = array<i32>} : memref<256xf32, #tpu.memory_space<vmem>>, vector<16xf32>,
    tpu.vector_store %arg11[%swap3A], %broadcast_in_dim3A_3 {strides = array<i32>} : memref<256xf32, #tpu.memory_space<vmem>>, vector<16xf32>,
    %swap3A_7 = arith.constant 0 : index
    %swap3A_8 = tpu.vector_load %arg12[%swap3A_7] {strides = array<i32>} : memref<256xi32, #tpu.memory_space<vmem>>, vector<16xi32>,
    tpu.vector_store %arg12[%swap3A_7], %broadcast_in_dim3A_5 {strides = array<i32>} : memref<256xi32, #tpu.memory_space<vmem>>, vector<16xi32>,
    %swap3A_9 = arith.constant 16 : index
    %swap3A_10 = tpu.vector_load %arg11[%swap3A_9] {strides = array<i32>} : memref<256xf32, #tpu.memory_space<vmem>>, vector<16xf32>,
    tpu.vector_store %arg11[%swap3A_9], %broadcast_in_dim3A_3 {strides = array<i32>} : memref<256xf32, #tpu.memory_space<vmem>>, vector<16xf32>,
    %swap3A_11 = arith.constant 16 : index
    %swap3A_12 = tpu.vector_load %arg12[%swap3A_11] {strides = array<i32>} : memref<256xi32, #tpu.memory_space<vmem>>, vector<16xi32>,
    tpu.vector_store %arg12[%swap3A_11], %broadcast_in_dim3A_5 {strides = array<i32>} : memref<256xi32, #tpu.memory_space<vmem>>, vector<16xi32>,
    %swap3A_13 = arith.constant 32 : index
    %swap3A_14 = tpu.vector_load %arg11[%swap3A_13] {strides = array<i32>} : memref<256xf32, #tpu.memory_space<vmem>>, vector<16xf32>,
    tpu.vector_store %arg11[%swap3A_13], %broadcast_in_dim3A_3 {strides = array<i32>} : memref<256xf32, #tpu.memory_space<vmem>>, vector<16xf32>,
    %swap3A_15 = arith.constant 32 : index
    %swap3A_16 = tpu.vector_load %arg12[%swap3A_15] {strides = array<i32>} : memref<256xi32, #tpu.memory_space<vmem>>, vector<16xi32>,
    tpu.vector_store %arg12[%swap3A_15], %broadcast_in_dim3A_5 {strides = array<i32>} : memref<256xi32, #tpu.memory_space<vmem>>, vector<16xi32>,
    %swap3A_17 = arith.constant 48 : index
    %swap3A_18 = tpu.vector_load %arg11[%swap3A_17] {strides = array<i32>} : memref<256xf32, #tpu.memory_space<vmem>>, vector<16xf32>,
    tpu.vector_store %arg11[%swap3A_17], %broadcast_in_dim3A_3 {strides = array<i32>} : memref<256xf32, #tpu.memory_space<vmem>>, vector<16xf32>,
    %swap3A_19 = arith.constant 48 : index
    %swap3A_20 = tpu.vector_load %arg12[%swap3A_19] {strides = array<i32>} : memref<256xi32, #tpu.memory_space<vmem>>, vector<16xi32>,
    tpu.vector_store %arg12[%swap3A_19], %broadcast_in_dim3A_5 {strides = array<i32>} : memref<256xi32, #tpu.memory_space<vmem>>, vector<16xi32>,
    %swap3A_21 = arith.constant 64 : index
    %swap3A_22 = tpu.vector_load %arg11[%swap3A_21] {strides = array<i32>} : memref<256xf32, #tpu.memory_space<vmem>>, vector<16xf32>,
    tpu.vector_store %arg11[%swap3A_21], %broadcast_in_dim3A_3 {strides = array<i32>} : memref<256xf32, #tpu.memory_space<vmem>>, vector<16xf32>,
    %swap3A_23 = arith.constant 64 : index
    %swap3A_24 = tpu.vector_load %arg12[%swap3A_23] {strides = array<i32>} : memref<256xi32, #tpu.memory_space<vmem>>, vector<16xi32>,
    tpu.vector_store %arg12[%swap3A_23], %broadcast_in_dim3A_5 {strides = array<i32>} : memref<256xi32, #tpu.memory_space<vmem>>, vector<16xi32>,
    %swap3A_25 = arith.constant 80 : index
    %swap3A_26 = tpu.vector_load %arg11[%swap3A_25] {strides = array<i32>} : memref<256xf32, #tpu.memory_space<vmem>>, vector<16xf32>,
    tpu.vector_store %arg11[%swap3A_25], %broadcast_in_dim3A_3 {strides = array<i32>} : memref<256xf32, #tpu.memory_space<vmem>>, vector<16xf32>,
    %swap3A_27 = arith.constant 80 : index
    %swap3A_28 = tpu.vector_load %arg12[%swap3A_27] {strides = array<i32>} : memref<256xi32, #tpu.memory_space<vmem>>, vector<16xi32>,
    tpu.vector_store %arg12[%swap3A_27], %broadcast_in_dim3A_5 {strides = array<i32>} : memref<256xi32, #tpu.memory_space<vmem>>, vector<16xi32>,
    %swap3A_29 = arith.constant 96 : index
    %swap3A_30 = tpu.vector_load %arg11[%swap3A_29] {strides = array<i32>} : memref<256xf32, #tpu.memory_space<vmem>>, vector<16xf32>,
    tpu.vector_store %arg11[%swap3A_29], %broadcast_in_dim3A_3 {strides = array<i32>} : memref<256xf32, #tpu.memory_space<vmem>>, vector<16xf32>,
    %swap3A_31 = arith.constant 96 : index
    %swap3A_32 = tpu.vector_load %arg12[%swap3A_31] {strides = array<i32>} : memref<256xi32, #tpu.memory_space<vmem>>, vector<16xi32>,
    tpu.vector_store %arg12[%swap3A_31], %broadcast_in_dim3A_5 {strides = array<i32>} : memref<256xi32, #tpu.memory_space<vmem>>, vector<16xi32>,
    %swap3A_33 = arith.constant 112 : index
    %swap3A_34 = tpu.vector_load %arg11[%swap3A_33] {strides = array<i32>} : memref<256xf32, #tpu.memory_space<vmem>>, vector<16xf32>,
    tpu.vector_store %arg11[%swap3A_33], %broadcast_in_dim3A_3 {strides = array<i32>} : memref<256xf32, #tpu.memory_space<vmem>>, vector<16xf32>,
    %swap3A_35 = arith.constant 112 : index
    %swap3A_36 = tpu.vector_load %arg12[%swap3A_35] {strides = array<i32>} : memref<256xi32, #tpu.memory_space<vmem>>, vector<16xi32>,
    tpu.vector_store %arg12[%swap3A_35], %broadcast_in_dim3A_5 {strides = array<i32>} : memref<256xi32, #tpu.memory_space<vmem>>, vector<16xi32>,
    %swap3A_37 = arith.constant 128 : index
    %swap3A_38 = tpu.vector_load %arg11[%swap3A_37] {strides = array<i32>} : memref<256xf32, #tpu.memory_space<vmem>>, vector<16xf32>,
    tpu.vector_store %arg11[%swap3A_37], %broadcast_in_dim3A_3 {strides = array<i32>} : memref<256xf32, #tpu.memory_space<vmem>>, vector<16xf32>,
    %swap3A_39 = arith.constant 128 : index
    %swap3A_40 = tpu.vector_load %arg12[%swap3A_39] {strides = array<i32>} : memref<256xi32, #tpu.memory_space<vmem>>, vector<16xi32>,
    tpu.vector_store %arg12[%swap3A_39], %broadcast_in_dim3A_5 {strides = array<i32>} : memref<256xi32, #tpu.memory_space<vmem>>, vector<16xi32>,
    %swap3A_41 = arith.constant 144 : index
    %swap3A_42 = tpu.vector_load %arg11[%swap3A_41] {strides = array<i32>} : memref<256xf32, #tpu.memory_space<vmem>>, vector<16xf32>,
    tpu.vector_store %arg11[%swap3A_41], %broadcast_in_dim3A_3 {strides = array<i32>} : memref<256xf32, #tpu.memory_space<vmem>>, vector<16xf32>,
    %swap3A_43 = arith.constant 144 : index
    %swap3A_44 = tpu.vector_load %arg12[%swap3A_43] {strides = array<i32>} : memref<256xi32, #tpu.memory_space<vmem>>, vector<16xi32>,
    tpu.vector_store %arg12[%swap3A_43], %broadcast_in_dim3A_5 {strides = array<i32>} : memref<256xi32, #tpu.memory_space<vmem>>, vector<16xi32>,
    %swap3A_45 = arith.constant 160 : index
    %swap3A_46 = tpu.vector_load %arg11[%swap3A_45] {strides = array<i32>} : memref<256xf32, #tpu.memory_space<vmem>>, vector<16xf32>,
    tpu.vector_store %arg11[%swap3A_45], %broadcast_in_dim3A_3 {strides = array<i32>} : memref<256xf32, #tpu.memory_space<vmem>>, vector<16xf32>,
    %swap3A_47 = arith.constant 160 : index
    %swap3A_48 = tpu.vector_load %arg12[%swap3A_47] {strides = array<i32>} : memref<256xi32, #tpu.memory_space<vmem>>, vector<16xi32>,
    tpu.vector_store %arg12[%swap3A_47], %broadcast_in_dim3A_5 {strides = array<i32>} : memref<256xi32, #tpu.memory_space<vmem>>, vector<16xi32>,
    %swap3A_49 = arith.constant 176 : index
    %swap3A_50 = tpu.vector_load %arg11[%swap3A_49] {strides = array<i32>} : memref<256xf32, #tpu.memory_space<vmem>>, vector<16xf32>,
    tpu.vector_store %arg11[%swap3A_49], %broadcast_in_dim3A_3 {strides = array<i32>} : memref<256xf32, #tpu.memory_space<vmem>>, vector<16xf32>,
    %swap3A_51 = arith.constant 176 : index
    %swap3A_52 = tpu.vector_load %arg12[%swap3A_51] {strides = array<i32>} : memref<256xi32, #tpu.memory_space<vmem>>, vector<16xi32>,
    tpu.vector_store %arg12[%swap3A_51], %broadcast_in_dim3A_5 {strides = array<i32>} : memref<256xi32, #tpu.memory_space<vmem>>, vector<16xi32>,
    %swap3A_53 = arith.constant 192 : index
    %swap3A_54 = tpu.vector_load %arg11[%swap3A_53] {strides = array<i32>} : memref<256xf32, #tpu.memory_space<vmem>>, vector<16xf32>,
    tpu.vector_store %arg11[%swap3A_53], %broadcast_in_dim3A_3 {strides = array<i32>} : memref<256xf32, #tpu.memory_space<vmem>>, vector<16xf32>,
    %swap3A_55 = arith.constant 192 : index
    %swap3A_56 = tpu.vector_load %arg12[%swap3A_55] {strides = array<i32>} : memref<256xi32, #tpu.memory_space<vmem>>, vector<16xi32>,
    tpu.vector_store %arg12[%swap3A_55], %broadcast_in_dim3A_5 {strides = array<i32>} : memref<256xi32, #tpu.memory_space<vmem>>, vector<16xi32>,
    %swap3A_57 = arith.constant 208 : index
    %swap3A_58 = tpu.vector_load %arg11[%swap3A_57] {strides = array<i32>} : memref<256xf32, #tpu.memory_space<vmem>>, vector<16xf32>,
    tpu.vector_store %arg11[%swap3A_57], %broadcast_in_dim3A_3 {strides = array<i32>} : memref<256xf32, #tpu.memory_space<vmem>>, vector<16xf32>,
    %swap3A_59 = arith.constant 208 : index
    %swap3A_60 = tpu.vector_load %arg12[%swap3A_59] {strides = array<i32>} : memref<256xi32, #tpu.memory_space<vmem>>, vector<16xi32>,
    tpu.vector_store %arg12[%swap3A_59], %broadcast_in_dim3A_5 {strides = array<i32>} : memref<256xi32, #tpu.memory_space<vmem>>, vector<16xi32>,
    %swap3A_61 = arith.constant 224 : index
    %swap3A_62 = tpu.vector_load %arg11[%swap3A_61] {strides = array<i32>} : memref<256xf32, #tpu.memory_space<vmem>>, vector<16xf32>,
    tpu.vector_store %arg11[%swap3A_61], %broadcast_in_dim3A_3 {strides = array<i32>} : memref<256xf32, #tpu.memory_space<vmem>>, vector<16xf32>,
    %swap3A_63 = arith.constant 224 : index
    %swap3A_64 = tpu.vector_load %arg12[%swap3A_63] {strides = array<i32>} : memref<256xi32, #tpu.memory_space<vmem>>, vector<16xi32>,
    tpu.vector_store %arg12[%swap3A_63], %broadcast_in_dim3A_5 {strides = array<i32>} : memref<256xi32, #tpu.memory_space<vmem>>, vector<16xi32>,
    %swap3A_65 = arith.constant 240 : index
    %swap3A_66 = tpu.vector_load %arg11[%swap3A_65] {strides = array<i32>} : memref<256xf32, #tpu.memory_space<vmem>>, vector<16xf32>,
    tpu.vector_store %arg11[%swap3A_65], %broadcast_in_dim3A_3 {strides = array<i32>} : memref<256xf32, #tpu.memory_space<vmem>>, vector<16xf32>,
    %swap3A_67 = arith.constant 240 : index
    %swap3A_68 = tpu.vector_load %arg12[%swap3A_67] {strides = array<i32>} : memref<256xi32, #tpu.memory_space<vmem>>, vector<16xi32>,
    tpu.vector_store %arg12[%swap3A_67], %broadcast_in_dim3A_5 {strides = array<i32>} : memref<256xi32, #tpu.memory_space<vmem>>, vector<16xi32>,
    %iota3A = tpu.iota {dimensions = array<i32: 0>} : vector<16xi32>
    %mul3A_69 = arith.constant 16 : i32
    %mul3A_70 = vector.broadcast %mul3A_69 : i32 to vector<16xi32>
    %mul3A_71 = arith.muli %iota3A, %mul3A_70 : vector<16xi32>
    %sub3A = arith.constant 1 : i32
    %sub3A_72 = vector.broadcast %sub3A : i32 to vector<16xi32>
    %sub3A_73 = arith.subi %mul3A_71, %sub3A_72 : vector<16xi32>
    %get3A = arith.constant 0 : index
    %get3A_74 = tpu.vector_load %arg10[%get3A] {strides = array<i32>} : memref<16xf32, #tpu.memory_space<vmem>>, vector<16xf32>,
    %add3A_75 = arith.constant 0 : i32
    %add3A_76 = arith.addi %mul3A_2, %add3A_75 : i32
    %dma_start3A = arith.constant 0 : i32
    %dma_start3A_77 = tpu.memref_slice %arg2[%add3A_76, %dma_start3A] : memref<16384x512xf32, #tpu.memory_space<hbm>> -> memref<32x512xf32, #tpu.memory_space<hbm>>
    %dma_start3A_78 = arith.constant 0 : i32
    %dma_start3A_79 = tpu.memref_slice %arg2[%add3A_76, %dma_start3A_78] : memref<16384x512xf32, #tpu.memory_space<hbm>> -> memref<32x512xf32, #tpu.memory_space<hbm>>
    tpu.enqueue_dma source(%dma_start3A_79 : memref<32x512xf32, #tpu.memory_space<hbm>>) target(%arg6 : memref<32x512xf32, #tpu.memory_space<vmem>>) target_semaphore(%arg14 : memref<!tpu.dma_semaphore, #tpu.memory_space<semaphore_mem>>)
    %dma_start3A_80 = arith.constant 0 : i32
    %dma_start3A_81 = tpu.memref_slice %arg3[%add3A_76, %dma_start3A_80] : memref<16384x512xf32, #tpu.memory_space<hbm>> -> memref<32x512xf32, #tpu.memory_space<hbm>>
    %dma_start3A_82 = arith.constant 0 : i32
    %dma_start3A_83 = tpu.memref_slice %arg3[%add3A_76, %dma_start3A_82] : memref<16384x512xf32, #tpu.memory_space<hbm>> -> memref<32x512xf32, #tpu.memory_space<hbm>>
    tpu.enqueue_dma source(%dma_start3A_83 : memref<32x512xf32, #tpu.memory_space<hbm>>) target(%arg8 : memref<32x512xf32, #tpu.memory_space<vmem>>) target_semaphore(%arg16 : memref<!tpu.dma_semaphore, #tpu.memory_space<semaphore_mem>>)
    %add3A_84 = arith.constant 32 : i32
    %add3A_85 = arith.addi %mul3A_2, %add3A_84 : i32
    %dma_start3A_86 = arith.constant 0 : i32
    %dma_start3A_87 = tpu.memref_slice %arg2[%add3A_85, %dma_start3A_86] : memref<16384x512xf32, #tpu.memory_space<hbm>> -> memref<32x512xf32, #tpu.memory_space<hbm>>
    %dma_start3A_88 = arith.constant 0 : i32
    %dma_start3A_89 = tpu.memref_slice %arg2[%add3A_85, %dma_start3A_88] : memref<16384x512xf32, #tpu.memory_space<hbm>> -> memref<32x512xf32, #tpu.memory_space<hbm>>
    tpu.enqueue_dma source(%dma_start3A_89 : memref<32x512xf32, #tpu.memory_space<hbm>>) target(%arg7 : memref<32x512xf32, #tpu.memory_space<vmem>>) target_semaphore(%arg15 : memref<!tpu.dma_semaphore, #tpu.memory_space<semaphore_mem>>)
    %dma_start3A_90 = arith.constant 0 : i32
    %dma_start3A_91 = tpu.memref_slice %arg3[%add3A_85, %dma_start3A_90] : memref<16384x512xf32, #tpu.memory_space<hbm>> -> memref<32x512xf32, #tpu.memory_space<hbm>>
    %dma_start3A_92 = arith.constant 0 : i32
    %dma_start3A_93 = tpu.memref_slice %arg3[%add3A_85, %dma_start3A_92] : memref<16384x512xf32, #tpu.memory_space<hbm>> -> memref<32x512xf32, #tpu.memory_space<hbm>>
    tpu.enqueue_dma source(%dma_start3A_93 : memref<32x512xf32, #tpu.memory_space<hbm>>) target(%arg9 : memref<32x512xf32, #tpu.memory_space<vmem>>) target_semaphore(%arg17 : memref<!tpu.dma_semaphore, #tpu.memory_space<semaphore_mem>>)
    %scan3A = arith.constant 0 : i32
    %scan3A_94 = arith.constant 0 : i32
    %scan3A_95 = arith.constant 5 : i32
    %scan3A_96 = arith.addi %scan3A_94, %scan3A_95 : i32
    %scan3A_97 = arith.constant 1 : i32
    %scan3A_98 = scf.for %scan3A_319 = %scan3A_94 to %scan3A_96 step %scan3A_97 iter_args(%scan3A_320 = %scan3A) -> (i32)  : i32 {
      %mul3A_321 = arith.constant 2 : i32
      %mul3A_322 = arith.muli %scan3A_319, %mul3A_321 : i32
      %add3A_323 = arith.constant 0 : i32
      %add3A_324 = arith.addi %mul3A_322, %add3A_323 : i32
      %dma_wait3A = arith.constant 0 : i32
      %dma_wait3A_325 = arith.constant 0 : i32
      %dma_wait3A_326 = tpu.memref_slice %arg2[%dma_wait3A, %dma_wait3A_325] : memref<16384x512xf32, #tpu.memory_space<hbm>> -> memref<32x512xf32, #tpu.memory_space<hbm>>
      %dma_wait3A_327 = arith.constant 0 : i32
      %dma_wait3A_328 = arith.constant 0 : i32
      %dma_wait3A_329 = tpu.memref_slice %arg2[%dma_wait3A_327, %dma_wait3A_328] : memref<16384x512xf32, #tpu.memory_space<hbm>> -> memref<32x512xf32, #tpu.memory_space<hbm>>
      tpu.wait_dma2 semaphore(%arg14 : memref<!tpu.dma_semaphore, #tpu.memory_space<semaphore_mem>>) src(%dma_wait3A_329 : memref<32x512xf32, #tpu.memory_space<hbm>>) dst(%arg6 : memref<32x512xf32, #tpu.memory_space<vmem>>)
      %dma_wait3A_330 = arith.constant 0 : i32
      %dma_wait3A_331 = arith.constant 0 : i32
      %dma_wait3A_332 = tpu.memref_slice %arg3[%dma_wait3A_330, %dma_wait3A_331] : memref<16384x512xf32, #tpu.memory_space<hbm>> -> memref<32x512xf32, #tpu.memory_space<hbm>>
      %dma_wait3A_333 = arith.constant 0 : i32
      %dma_wait3A_334 = arith.constant 0 : i32
      %dma_wait3A_335 = tpu.memref_slice %arg3[%dma_wait3A_333, %dma_wait3A_334] : memref<16384x512xf32, #tpu.memory_space<hbm>> -> memref<32x512xf32, #tpu.memory_space<hbm>>
      tpu.wait_dma2 semaphore(%arg16 : memref<!tpu.dma_semaphore, #tpu.memory_space<semaphore_mem>>) src(%dma_wait3A_335 : memref<32x512xf32, #tpu.memory_space<hbm>>) dst(%arg8 : memref<32x512xf32, #tpu.memory_space<vmem>>)
      %parallel_loop3A = arith.constant 0 : i32
      %parallel_loop3A_336 = arith.constant 1024 : i32
      %parallel_loop3A_337 = arith.constant 1 : i32
      scf.for %parallel_loop3A_370 = %parallel_loop3A to %parallel_loop3A_336 step %parallel_loop3A_337  : i32 {
        %parallel_loop3A_371 = arith.constant 5 : i32
        %parallel_loop3A_372 = arith.shrui %parallel_loop3A_370, %parallel_loop3A_371 : i32
        %parallel_loop3A_373 = arith.constant 31 : i32
        %parallel_loop3A_374 = arith.andi %parallel_loop3A_370, %parallel_loop3A_373 : i32
        %parallel_loop3A_375 = arith.constant 16 : i32
        %parallel_loop3A_376 = arith.muli %parallel_loop3A_374, %parallel_loop3A_375 : i32
        %parallel_loop3A_377 = arith.index_cast %parallel_loop3A_372 : i32 to index
        %parallel_loop3A_378 = arith.index_cast %parallel_loop3A_376 : i32 to index
        %parallel_loop3A_379 = tpu.vector_load %arg6[%parallel_loop3A_377, %parallel_loop3A_378] {strides = array<i32>} : memref<32x512xf32, #tpu.memory_space<vmem>>, vector<16xf32>,
        %parallel_loop3A_380 = arith.index_cast %parallel_loop3A_372 : i32 to index
        %parallel_loop3A_381 = arith.index_cast %parallel_loop3A_376 : i32 to index
        %parallel_loop3A_382 = tpu.vector_load %arg8[%parallel_loop3A_380, %parallel_loop3A_381] {strides = array<i32>} : memref<32x512xf32, #tpu.memory_space<vmem>>, vector<16xf32>,
        %parallel_loop3A_383 = arith.constant 9.999990e+00 : f32
        %parallel_loop3A_384 = vector.broadcast %parallel_loop3A_383 : f32 to vector<16xf32>
        %parallel_loop3A_385 = arith.mulf %parallel_loop3A_379, %parallel_loop3A_384 : vector<16xf32>
        %parallel_loop3A_386 = arith.constant 9.99998974E-6 : f32
        %parallel_loop3A_387 = vector.broadcast %parallel_loop3A_386 : f32 to vector<16xf32>
        %parallel_loop3A_388 = arith.addf %parallel_loop3A_385, %parallel_loop3A_387 : vector<16xf32>
        %parallel_loop3A_389 = arith.constant 0x4B400000 : f32
        %parallel_loop3A_390 = vector.broadcast %parallel_loop3A_389 : f32 to vector<16xf32>
        %parallel_loop3A_391 = arith.addf %parallel_loop3A_388, %parallel_loop3A_390 : vector<16xf32>
        %parallel_loop3A_392 = vector.bitcast %parallel_loop3A_391 : vector<16xf32> to vector<16xi32>
        %parallel_loop3A_393 = arith.constant 15 : i32
        %parallel_loop3A_394 = vector.broadcast %parallel_loop3A_393 : i32 to vector<16xi32>
        %parallel_loop3A_395 = arith.andi %parallel_loop3A_392, %parallel_loop3A_394 : vector<16xi32>
        %parallel_loop3A_396 = vector.shape_cast %parallel_loop3A_395 : vector<16xi32> to vector<16x1xi32>
        %parallel_loop3A_397 = vector.shape_cast %parallel_loop3A_396 : vector<16x1xi32> to vector<16xi32>
        %parallel_loop3A_398 = tpu.dynamic_gather %get3A_74[%parallel_loop3A_397] in [0] : vector<16xf32>, vector<16xi32> -> vector<16xf32>
        %parallel_loop3A_399 = arith.cmpf ole, %parallel_loop3A_379, %parallel_loop3A_398 : vector<16xf32>
        %parallel_loop3A_400 = arith.select %parallel_loop3A_399, %sub3A_73, %mul3A_71 : vector<16xi1>, vector<16xi32>
        %parallel_loop3A_401 = arith.addi %parallel_loop3A_395, %parallel_loop3A_400 : vector<16xi32>
        tpu.vector_store_idx %arg11[%parallel_loop3A_401], %parallel_loop3A_379 {add = true} : memref<256xf32, #tpu.memory_space<vmem>>[vector<16xi32>], vector<16xf32>,
        %parallel_loop3A_402 = arith.constant 5.000000e-01 : f32
        %parallel_loop3A_403 = vector.broadcast %parallel_loop3A_402 : f32 to vector<16xf32>
        %parallel_loop3A_404 = arith.cmpf ogt, %parallel_loop3A_382, %parallel_loop3A_403 : vector<16xf32>
        %parallel_loop3A_405 = arith.constant 65537 : i32
        %parallel_loop3A_406 = arith.constant 1 : i32
        %parallel_loop3A_407 = vector.broadcast %parallel_loop3A_405 : i32 to vector<16xi32>
        %parallel_loop3A_408 = vector.broadcast %parallel_loop3A_406 : i32 to vector<16xi32>
        %parallel_loop3A_409 = arith.select %parallel_loop3A_404, %parallel_loop3A_407, %parallel_loop3A_408 : vector<16xi1>, vector<16xi32>
        tpu.vector_store_idx %arg12[%parallel_loop3A_401], %parallel_loop3A_409 {add = true} : memref<256xi32, #tpu.memory_space<vmem>>[vector<16xi32>], vector<16xi32>,
      } {sc.loop_unroll_factor = 8 : i64, sc.parallel_access}
      %add3A_338 = arith.constant 2 : i32
      %add3A_339 = arith.addi %add3A_324, %add3A_338 : i32
      %lt3A = arith.constant 10 : i32
      %lt3A_340 = arith.cmpi slt, %add3A_339, %lt3A : i32
      %convert_element_type3A_341 = arith.extui %lt3A_340 : i1 to i32
      %cond3A = arith.constant 0 : i32
      %cond3A_342 = arith.cmpi ne, %convert_element_type3A_341, %cond3A : i32
      scf.if %cond3A_342 {
        %add3A_370 = arith.constant 2 : i32
        %add3A_371 = arith.addi %add3A_324, %add3A_370 : i32
        %mul3A_372 = arith.constant 32 : i32
        %mul3A_373 = arith.muli %add3A_371, %mul3A_372 : i32
        %add3A_374 = arith.addi %mul3A_2, %mul3A_373 : i32
        %dma_start3A_375 = arith.constant 0 : i32
        %dma_start3A_376 = tpu.memref_slice %arg2[%add3A_374, %dma_start3A_375] : memref<16384x512xf32, #tpu.memory_space<hbm>> -> memref<32x512xf32, #tpu.memory_space<hbm>>
        %dma_start3A_377 = arith.constant 0 : i32
        %dma_start3A_378 = tpu.memref_slice %arg2[%add3A_374, %dma_start3A_377] : memref<16384x512xf32, #tpu.memory_space<hbm>> -> memref<32x512xf32, #tpu.memory_space<hbm>>
        tpu.enqueue_dma source(%dma_start3A_378 : memref<32x512xf32, #tpu.memory_space<hbm>>) target(%arg6 : memref<32x512xf32, #tpu.memory_space<vmem>>) target_semaphore(%arg14 : memref<!tpu.dma_semaphore, #tpu.memory_space<semaphore_mem>>)
        %dma_start3A_379 = arith.constant 0 : i32
        %dma_start3A_380 = tpu.memref_slice %arg3[%add3A_374, %dma_start3A_379] : memref<16384x512xf32, #tpu.memory_space<hbm>> -> memref<32x512xf32, #tpu.memory_space<hbm>>
        %dma_start3A_381 = arith.constant 0 : i32
        %dma_start3A_382 = tpu.memref_slice %arg3[%add3A_374, %dma_start3A_381] : memref<16384x512xf32, #tpu.memory_space<hbm>> -> memref<32x512xf32, #tpu.memory_space<hbm>>
        tpu.enqueue_dma source(%dma_start3A_382 : memref<32x512xf32, #tpu.memory_space<hbm>>) target(%arg8 : memref<32x512xf32, #tpu.memory_space<vmem>>) target_semaphore(%arg16 : memref<!tpu.dma_semaphore, #tpu.memory_space<semaphore_mem>>)
      } else {
      }
      %mul3A_343 = arith.constant 2 : i32
      %mul3A_344 = arith.muli %scan3A_319, %mul3A_343 : i32
      %add3A_345 = arith.constant 1 : i32
      %add3A_346 = arith.addi %mul3A_344, %add3A_345 : i32
      %dma_wait3A_347 = arith.constant 0 : i32
      %dma_wait3A_348 = arith.constant 0 : i32
      %dma_wait3A_349 = tpu.memref_slice %arg2[%dma_wait3A_347, %dma_wait3A_348] : memref<16384x512xf32, #tpu.memory_space<hbm>> -> memref<32x512xf32, #tpu.memory_space<hbm>>
      %dma_wait3A_350 = arith.constant 0 : i32
      %dma_wait3A_351 = arith.constant 0 : i32
      %dma_wait3A_352 = tpu.memref_slice %arg2[%dma_wait3A_350, %dma_wait3A_351] : memref<16384x512xf32, #tpu.memory_space<hbm>> -> memref<32x512xf32, #tpu.memory_space<hbm>>
      tpu.wait_dma2 semaphore(%arg15 : memref<!tpu.dma_semaphore, #tpu.memory_space<semaphore_mem>>) src(%dma_wait3A_352 : memref<32x512xf32, #tpu.memory_space<hbm>>) dst(%arg7 : memref<32x512xf32, #tpu.memory_space<vmem>>)
      %dma_wait3A_353 = arith.constant 0 : i32
      %dma_wait3A_354 = arith.constant 0 : i32
      %dma_wait3A_355 = tpu.memref_slice %arg3[%dma_wait3A_353, %dma_wait3A_354] : memref<16384x512xf32, #tpu.memory_space<hbm>> -> memref<32x512xf32, #tpu.memory_space<hbm>>
      %dma_wait3A_356 = arith.constant 0 : i32
      %dma_wait3A_357 = arith.constant 0 : i32
      %dma_wait3A_358 = tpu.memref_slice %arg3[%dma_wait3A_356, %dma_wait3A_357] : memref<16384x512xf32, #tpu.memory_space<hbm>> -> memref<32x512xf32, #tpu.memory_space<hbm>>
      tpu.wait_dma2 semaphore(%arg17 : memref<!tpu.dma_semaphore, #tpu.memory_space<semaphore_mem>>) src(%dma_wait3A_358 : memref<32x512xf32, #tpu.memory_space<hbm>>) dst(%arg9 : memref<32x512xf32, #tpu.memory_space<vmem>>)
      %parallel_loop3A_359 = arith.constant 0 : i32
      %parallel_loop3A_360 = arith.constant 1024 : i32
      %parallel_loop3A_361 = arith.constant 1 : i32
      scf.for %parallel_loop3A_370 = %parallel_loop3A_359 to %parallel_loop3A_360 step %parallel_loop3A_361  : i32 {
        %parallel_loop3A_371 = arith.constant 5 : i32
        %parallel_loop3A_372 = arith.shrui %parallel_loop3A_370, %parallel_loop3A_371 : i32
        %parallel_loop3A_373 = arith.constant 31 : i32
        %parallel_loop3A_374 = arith.andi %parallel_loop3A_370, %parallel_loop3A_373 : i32
        %parallel_loop3A_375 = arith.constant 16 : i32
        %parallel_loop3A_376 = arith.muli %parallel_loop3A_374, %parallel_loop3A_375 : i32
        %parallel_loop3A_377 = arith.index_cast %parallel_loop3A_372 : i32 to index
        %parallel_loop3A_378 = arith.index_cast %parallel_loop3A_376 : i32 to index
        %parallel_loop3A_379 = tpu.vector_load %arg7[%parallel_loop3A_377, %parallel_loop3A_378] {strides = array<i32>} : memref<32x512xf32, #tpu.memory_space<vmem>>, vector<16xf32>,
        %parallel_loop3A_380 = arith.index_cast %parallel_loop3A_372 : i32 to index
        %parallel_loop3A_381 = arith.index_cast %parallel_loop3A_376 : i32 to index
        %parallel_loop3A_382 = tpu.vector_load %arg9[%parallel_loop3A_380, %parallel_loop3A_381] {strides = array<i32>} : memref<32x512xf32, #tpu.memory_space<vmem>>, vector<16xf32>,
        %parallel_loop3A_383 = arith.constant 9.999990e+00 : f32
        %parallel_loop3A_384 = vector.broadcast %parallel_loop3A_383 : f32 to vector<16xf32>
        %parallel_loop3A_385 = arith.mulf %parallel_loop3A_379, %parallel_loop3A_384 : vector<16xf32>
        %parallel_loop3A_386 = arith.constant 9.99998974E-6 : f32
        %parallel_loop3A_387 = vector.broadcast %parallel_loop3A_386 : f32 to vector<16xf32>
        %parallel_loop3A_388 = arith.addf %parallel_loop3A_385, %parallel_loop3A_387 : vector<16xf32>
        %parallel_loop3A_389 = arith.constant 0x4B400000 : f32
        %parallel_loop3A_390 = vector.broadcast %parallel_loop3A_389 : f32 to vector<16xf32>
        %parallel_loop3A_391 = arith.addf %parallel_loop3A_388, %parallel_loop3A_390 : vector<16xf32>
        %parallel_loop3A_392 = vector.bitcast %parallel_loop3A_391 : vector<16xf32> to vector<16xi32>
        %parallel_loop3A_393 = arith.constant 15 : i32
        %parallel_loop3A_394 = vector.broadcast %parallel_loop3A_393 : i32 to vector<16xi32>
        %parallel_loop3A_395 = arith.andi %parallel_loop3A_392, %parallel_loop3A_394 : vector<16xi32>
        %parallel_loop3A_396 = vector.shape_cast %parallel_loop3A_395 : vector<16xi32> to vector<16x1xi32>
        %parallel_loop3A_397 = vector.shape_cast %parallel_loop3A_396 : vector<16x1xi32> to vector<16xi32>
        %parallel_loop3A_398 = tpu.dynamic_gather %get3A_74[%parallel_loop3A_397] in [0] : vector<16xf32>, vector<16xi32> -> vector<16xf32>
        %parallel_loop3A_399 = arith.cmpf ole, %parallel_loop3A_379, %parallel_loop3A_398 : vector<16xf32>
        %parallel_loop3A_400 = arith.select %parallel_loop3A_399, %sub3A_73, %mul3A_71 : vector<16xi1>, vector<16xi32>
        %parallel_loop3A_401 = arith.addi %parallel_loop3A_395, %parallel_loop3A_400 : vector<16xi32>
        tpu.vector_store_idx %arg11[%parallel_loop3A_401], %parallel_loop3A_379 {add = true} : memref<256xf32, #tpu.memory_space<vmem>>[vector<16xi32>], vector<16xf32>,
        %parallel_loop3A_402 = arith.constant 5.000000e-01 : f32
        %parallel_loop3A_403 = vector.broadcast %parallel_loop3A_402 : f32 to vector<16xf32>
        %parallel_loop3A_404 = arith.cmpf ogt, %parallel_loop3A_382, %parallel_loop3A_403 : vector<16xf32>
        %parallel_loop3A_405 = arith.constant 65537 : i32
        %parallel_loop3A_406 = arith.constant 1 : i32
        %parallel_loop3A_407 = vector.broadcast %parallel_loop3A_405 : i32 to vector<16xi32>
        %parallel_loop3A_408 = vector.broadcast %parallel_loop3A_406 : i32 to vector<16xi32>
        %parallel_loop3A_409 = arith.select %parallel_loop3A_404, %parallel_loop3A_407, %parallel_loop3A_408 : vector<16xi1>, vector<16xi32>
        tpu.vector_store_idx %arg12[%parallel_loop3A_401], %parallel_loop3A_409 {add = true} : memref<256xi32, #tpu.memory_space<vmem>>[vector<16xi32>], vector<16xi32>,
      } {sc.loop_unroll_factor = 8 : i64, sc.parallel_access}
      %add3A_362 = arith.constant 2 : i32
      %add3A_363 = arith.addi %add3A_346, %add3A_362 : i32
      %lt3A_364 = arith.constant 10 : i32
      %lt3A_365 = arith.cmpi slt, %add3A_363, %lt3A_364 : i32
      %convert_element_type3A_366 = arith.extui %lt3A_365 : i1 to i32
      %cond3A_367 = arith.constant 0 : i32
      %cond3A_368 = arith.cmpi ne, %convert_element_type3A_366, %cond3A_367 : i32
      scf.if %cond3A_368 {
        %add3A_370 = arith.constant 2 : i32
        %add3A_371 = arith.addi %add3A_346, %add3A_370 : i32
        %mul3A_372 = arith.constant 32 : i32
        %mul3A_373 = arith.muli %add3A_371, %mul3A_372 : i32
        %add3A_374 = arith.addi %mul3A_2, %mul3A_373 : i32
        %dma_start3A_375 = arith.constant 0 : i32
        %dma_start3A_376 = tpu.memref_slice %arg2[%add3A_374, %dma_start3A_375] : memref<16384x512xf32, #tpu.memory_space<hbm>> -> memref<32x512xf32, #tpu.memory_space<hbm>>
        %dma_start3A_377 = arith.constant 0 : i32
        %dma_start3A_378 = tpu.memref_slice %arg2[%add3A_374, %dma_start3A_377] : memref<16384x512xf32, #tpu.memory_space<hbm>> -> memref<32x512xf32, #tpu.memory_space<hbm>>
        tpu.enqueue_dma source(%dma_start3A_378 : memref<32x512xf32, #tpu.memory_space<hbm>>) target(%arg7 : memref<32x512xf32, #tpu.memory_space<vmem>>) target_semaphore(%arg15 : memref<!tpu.dma_semaphore, #tpu.memory_space<semaphore_mem>>)
        %dma_start3A_379 = arith.constant 0 : i32
        %dma_start3A_380 = tpu.memref_slice %arg3[%add3A_374, %dma_start3A_379] : memref<16384x512xf32, #tpu.memory_space<hbm>> -> memref<32x512xf32, #tpu.memory_space<hbm>>
        %dma_start3A_381 = arith.constant 0 : i32
        %dma_start3A_382 = tpu.memref_slice %arg3[%add3A_374, %dma_start3A_381] : memref<16384x512xf32, #tpu.memory_space<hbm>> -> memref<32x512xf32, #tpu.memory_space<hbm>>
        tpu.enqueue_dma source(%dma_start3A_382 : memref<32x512xf32, #tpu.memory_space<hbm>>) target(%arg9 : memref<32x512xf32, #tpu.memory_space<vmem>>) target_semaphore(%arg17 : memref<!tpu.dma_semaphore, #tpu.memory_space<semaphore_mem>>)
      } else {
      }
      %scan3A_369 = arith.constant 0 : i32
      scf.yield %scan3A_369 : i32
    }
    %scan3A_99 = arith.constant 5 : i32
    %broadcast_in_dim3A_100 = arith.constant 0.000000e+00 : f32
    %broadcast_in_dim3A_101 = vector.broadcast %broadcast_in_dim3A_100 : f32 to vector<16xf32>
    %broadcast_in_dim3A_102 = arith.constant 0 : i32
    %broadcast_in_dim3A_103 = vector.broadcast %broadcast_in_dim3A_102 : i32 to vector<16xi32>
    %broadcast_in_dim3A_104 = arith.constant 0 : i32
    %broadcast_in_dim3A_105 = vector.broadcast %broadcast_in_dim3A_104 : i32 to vector<16xi32>
    %get3A_106 = arith.constant 0 : index
    %get3A_107 = tpu.vector_load %arg11[%get3A_106] {strides = array<i32>} : memref<256xf32, #tpu.memory_space<vmem>>, vector<16xf32>,
    %add3A_108 = arith.addf %broadcast_in_dim3A_101, %get3A_107 : vector<16xf32>
    %get3A_109 = arith.constant 0 : index
    %get3A_110 = tpu.vector_load %arg12[%get3A_109] {strides = array<i32>} : memref<256xi32, #tpu.memory_space<vmem>>, vector<16xi32>,
    %and3A = arith.constant 65535 : i32
    %and3A_111 = vector.broadcast %and3A : i32 to vector<16xi32>
    %and3A_112 = arith.andi %get3A_110, %and3A_111 : vector<16xi32>
    %add3A_113 = arith.addi %broadcast_in_dim3A_103, %and3A_112 : vector<16xi32>
    %shift_right_logical3A = arith.constant 16 : i32
    %shift_right_logical3A_114 = vector.broadcast %shift_right_logical3A : i32 to vector<16xi32>
    %shift_right_logical3A_115 = arith.shrui %get3A_110, %shift_right_logical3A_114 : vector<16xi32>
    %add3A_116 = arith.addi %broadcast_in_dim3A_105, %shift_right_logical3A_115 : vector<16xi32>
    %get3A_117 = arith.constant 16 : index
    %get3A_118 = tpu.vector_load %arg11[%get3A_117] {strides = array<i32>} : memref<256xf32, #tpu.memory_space<vmem>>, vector<16xf32>,
    %add3A_119 = arith.addf %add3A_108, %get3A_118 : vector<16xf32>
    %get3A_120 = arith.constant 16 : index
    %get3A_121 = tpu.vector_load %arg12[%get3A_120] {strides = array<i32>} : memref<256xi32, #tpu.memory_space<vmem>>, vector<16xi32>,
    %and3A_122 = arith.constant 65535 : i32
    %and3A_123 = vector.broadcast %and3A_122 : i32 to vector<16xi32>
    %and3A_124 = arith.andi %get3A_121, %and3A_123 : vector<16xi32>
    %add3A_125 = arith.addi %add3A_113, %and3A_124 : vector<16xi32>
    %shift_right_logical3A_126 = arith.constant 16 : i32
    %shift_right_logical3A_127 = vector.broadcast %shift_right_logical3A_126 : i32 to vector<16xi32>
    %shift_right_logical3A_128 = arith.shrui %get3A_121, %shift_right_logical3A_127 : vector<16xi32>
    %add3A_129 = arith.addi %add3A_116, %shift_right_logical3A_128 : vector<16xi32>
    %get3A_130 = arith.constant 32 : index
    %get3A_131 = tpu.vector_load %arg11[%get3A_130] {strides = array<i32>} : memref<256xf32, #tpu.memory_space<vmem>>, vector<16xf32>,
    %add3A_132 = arith.addf %add3A_119, %get3A_131 : vector<16xf32>
    %get3A_133 = arith.constant 32 : index
    %get3A_134 = tpu.vector_load %arg12[%get3A_133] {strides = array<i32>} : memref<256xi32, #tpu.memory_space<vmem>>, vector<16xi32>,
    %and3A_135 = arith.constant 65535 : i32
    %and3A_136 = vector.broadcast %and3A_135 : i32 to vector<16xi32>
    %and3A_137 = arith.andi %get3A_134, %and3A_136 : vector<16xi32>
    %add3A_138 = arith.addi %add3A_125, %and3A_137 : vector<16xi32>
    %shift_right_logical3A_139 = arith.constant 16 : i32
    %shift_right_logical3A_140 = vector.broadcast %shift_right_logical3A_139 : i32 to vector<16xi32>
    %shift_right_logical3A_141 = arith.shrui %get3A_134, %shift_right_logical3A_140 : vector<16xi32>
    %add3A_142 = arith.addi %add3A_129, %shift_right_logical3A_141 : vector<16xi32>
    %get3A_143 = arith.constant 48 : index
    %get3A_144 = tpu.vector_load %arg11[%get3A_143] {strides = array<i32>} : memref<256xf32, #tpu.memory_space<vmem>>, vector<16xf32>,
    %add3A_145 = arith.addf %add3A_132, %get3A_144 : vector<16xf32>
    %get3A_146 = arith.constant 48 : index
    %get3A_147 = tpu.vector_load %arg12[%get3A_146] {strides = array<i32>} : memref<256xi32, #tpu.memory_space<vmem>>, vector<16xi32>,
    %and3A_148 = arith.constant 65535 : i32
    %and3A_149 = vector.broadcast %and3A_148 : i32 to vector<16xi32>
    %and3A_150 = arith.andi %get3A_147, %and3A_149 : vector<16xi32>
    %add3A_151 = arith.addi %add3A_138, %and3A_150 : vector<16xi32>
    %shift_right_logical3A_152 = arith.constant 16 : i32
    %shift_right_logical3A_153 = vector.broadcast %shift_right_logical3A_152 : i32 to vector<16xi32>
    %shift_right_logical3A_154 = arith.shrui %get3A_147, %shift_right_logical3A_153 : vector<16xi32>
    %add3A_155 = arith.addi %add3A_142, %shift_right_logical3A_154 : vector<16xi32>
    %get3A_156 = arith.constant 64 : index
    %get3A_157 = tpu.vector_load %arg11[%get3A_156] {strides = array<i32>} : memref<256xf32, #tpu.memory_space<vmem>>, vector<16xf32>,
    %add3A_158 = arith.addf %add3A_145, %get3A_157 : vector<16xf32>
    %get3A_159 = arith.constant 64 : index
    %get3A_160 = tpu.vector_load %arg12[%get3A_159] {strides = array<i32>} : memref<256xi32, #tpu.memory_space<vmem>>, vector<16xi32>,
    %and3A_161 = arith.constant 65535 : i32
    %and3A_162 = vector.broadcast %and3A_161 : i32 to vector<16xi32>
    %and3A_163 = arith.andi %get3A_160, %and3A_162 : vector<16xi32>
    %add3A_164 = arith.addi %add3A_151, %and3A_163 : vector<16xi32>
    %shift_right_logical3A_165 = arith.constant 16 : i32
    %shift_right_logical3A_166 = vector.broadcast %shift_right_logical3A_165 : i32 to vector<16xi32>
    %shift_right_logical3A_167 = arith.shrui %get3A_160, %shift_right_logical3A_166 : vector<16xi32>
    %add3A_168 = arith.addi %add3A_155, %shift_right_logical3A_167 : vector<16xi32>
    %get3A_169 = arith.constant 80 : index
    %get3A_170 = tpu.vector_load %arg11[%get3A_169] {strides = array<i32>} : memref<256xf32, #tpu.memory_space<vmem>>, vector<16xf32>,
    %add3A_171 = arith.addf %add3A_158, %get3A_170 : vector<16xf32>
    %get3A_172 = arith.constant 80 : index
    %get3A_173 = tpu.vector_load %arg12[%get3A_172] {strides = array<i32>} : memref<256xi32, #tpu.memory_space<vmem>>, vector<16xi32>,
    %and3A_174 = arith.constant 65535 : i32
    %and3A_175 = vector.broadcast %and3A_174 : i32 to vector<16xi32>
    %and3A_176 = arith.andi %get3A_173, %and3A_175 : vector<16xi32>
    %add3A_177 = arith.addi %add3A_164, %and3A_176 : vector<16xi32>
    %shift_right_logical3A_178 = arith.constant 16 : i32
    %shift_right_logical3A_179 = vector.broadcast %shift_right_logical3A_178 : i32 to vector<16xi32>
    %shift_right_logical3A_180 = arith.shrui %get3A_173, %shift_right_logical3A_179 : vector<16xi32>
    %add3A_181 = arith.addi %add3A_168, %shift_right_logical3A_180 : vector<16xi32>
    %get3A_182 = arith.constant 96 : index
    %get3A_183 = tpu.vector_load %arg11[%get3A_182] {strides = array<i32>} : memref<256xf32, #tpu.memory_space<vmem>>, vector<16xf32>,
    %add3A_184 = arith.addf %add3A_171, %get3A_183 : vector<16xf32>
    %get3A_185 = arith.constant 96 : index
    %get3A_186 = tpu.vector_load %arg12[%get3A_185] {strides = array<i32>} : memref<256xi32, #tpu.memory_space<vmem>>, vector<16xi32>,
    %and3A_187 = arith.constant 65535 : i32
    %and3A_188 = vector.broadcast %and3A_187 : i32 to vector<16xi32>
    %and3A_189 = arith.andi %get3A_186, %and3A_188 : vector<16xi32>
    %add3A_190 = arith.addi %add3A_177, %and3A_189 : vector<16xi32>
    %shift_right_logical3A_191 = arith.constant 16 : i32
    %shift_right_logical3A_192 = vector.broadcast %shift_right_logical3A_191 : i32 to vector<16xi32>
    %shift_right_logical3A_193 = arith.shrui %get3A_186, %shift_right_logical3A_192 : vector<16xi32>
    %add3A_194 = arith.addi %add3A_181, %shift_right_logical3A_193 : vector<16xi32>
    %get3A_195 = arith.constant 112 : index
    %get3A_196 = tpu.vector_load %arg11[%get3A_195] {strides = array<i32>} : memref<256xf32, #tpu.memory_space<vmem>>, vector<16xf32>,
    %add3A_197 = arith.addf %add3A_184, %get3A_196 : vector<16xf32>
    %get3A_198 = arith.constant 112 : index
    %get3A_199 = tpu.vector_load %arg12[%get3A_198] {strides = array<i32>} : memref<256xi32, #tpu.memory_space<vmem>>, vector<16xi32>,
    %and3A_200 = arith.constant 65535 : i32
    %and3A_201 = vector.broadcast %and3A_200 : i32 to vector<16xi32>
    %and3A_202 = arith.andi %get3A_199, %and3A_201 : vector<16xi32>
    %add3A_203 = arith.addi %add3A_190, %and3A_202 : vector<16xi32>
    %shift_right_logical3A_204 = arith.constant 16 : i32
    %shift_right_logical3A_205 = vector.broadcast %shift_right_logical3A_204 : i32 to vector<16xi32>
    %shift_right_logical3A_206 = arith.shrui %get3A_199, %shift_right_logical3A_205 : vector<16xi32>
    %add3A_207 = arith.addi %add3A_194, %shift_right_logical3A_206 : vector<16xi32>
    %get3A_208 = arith.constant 128 : index
    %get3A_209 = tpu.vector_load %arg11[%get3A_208] {strides = array<i32>} : memref<256xf32, #tpu.memory_space<vmem>>, vector<16xf32>,
    %add3A_210 = arith.addf %add3A_197, %get3A_209 : vector<16xf32>
    %get3A_211 = arith.constant 128 : index
    %get3A_212 = tpu.vector_load %arg12[%get3A_211] {strides = array<i32>} : memref<256xi32, #tpu.memory_space<vmem>>, vector<16xi32>,
    %and3A_213 = arith.constant 65535 : i32
    %and3A_214 = vector.broadcast %and3A_213 : i32 to vector<16xi32>
    %and3A_215 = arith.andi %get3A_212, %and3A_214 : vector<16xi32>
    %add3A_216 = arith.addi %add3A_203, %and3A_215 : vector<16xi32>
    %shift_right_logical3A_217 = arith.constant 16 : i32
    %shift_right_logical3A_218 = vector.broadcast %shift_right_logical3A_217 : i32 to vector<16xi32>
    %shift_right_logical3A_219 = arith.shrui %get3A_212, %shift_right_logical3A_218 : vector<16xi32>
    %add3A_220 = arith.addi %add3A_207, %shift_right_logical3A_219 : vector<16xi32>
    %get3A_221 = arith.constant 144 : index
    %get3A_222 = tpu.vector_load %arg11[%get3A_221] {strides = array<i32>} : memref<256xf32, #tpu.memory_space<vmem>>, vector<16xf32>,
    %add3A_223 = arith.addf %add3A_210, %get3A_222 : vector<16xf32>
    %get3A_224 = arith.constant 144 : index
    %get3A_225 = tpu.vector_load %arg12[%get3A_224] {strides = array<i32>} : memref<256xi32, #tpu.memory_space<vmem>>, vector<16xi32>,
    %and3A_226 = arith.constant 65535 : i32
    %and3A_227 = vector.broadcast %and3A_226 : i32 to vector<16xi32>
    %and3A_228 = arith.andi %get3A_225, %and3A_227 : vector<16xi32>
    %add3A_229 = arith.addi %add3A_216, %and3A_228 : vector<16xi32>
    %shift_right_logical3A_230 = arith.constant 16 : i32
    %shift_right_logical3A_231 = vector.broadcast %shift_right_logical3A_230 : i32 to vector<16xi32>
    %shift_right_logical3A_232 = arith.shrui %get3A_225, %shift_right_logical3A_231 : vector<16xi32>
    %add3A_233 = arith.addi %add3A_220, %shift_right_logical3A_232 : vector<16xi32>
    %get3A_234 = arith.constant 160 : index
    %get3A_235 = tpu.vector_load %arg11[%get3A_234] {strides = array<i32>} : memref<256xf32, #tpu.memory_space<vmem>>, vector<16xf32>,
    %add3A_236 = arith.addf %add3A_223, %get3A_235 : vector<16xf32>
    %get3A_237 = arith.constant 160 : index
    %get3A_238 = tpu.vector_load %arg12[%get3A_237] {strides = array<i32>} : memref<256xi32, #tpu.memory_space<vmem>>, vector<16xi32>,
    %and3A_239 = arith.constant 65535 : i32
    %and3A_240 = vector.broadcast %and3A_239 : i32 to vector<16xi32>
    %and3A_241 = arith.andi %get3A_238, %and3A_240 : vector<16xi32>
    %add3A_242 = arith.addi %add3A_229, %and3A_241 : vector<16xi32>
    %shift_right_logical3A_243 = arith.constant 16 : i32
    %shift_right_logical3A_244 = vector.broadcast %shift_right_logical3A_243 : i32 to vector<16xi32>
    %shift_right_logical3A_245 = arith.shrui %get3A_238, %shift_right_logical3A_244 : vector<16xi32>
    %add3A_246 = arith.addi %add3A_233, %shift_right_logical3A_245 : vector<16xi32>
    %get3A_247 = arith.constant 176 : index
    %get3A_248 = tpu.vector_load %arg11[%get3A_247] {strides = array<i32>} : memref<256xf32, #tpu.memory_space<vmem>>, vector<16xf32>,
    %add3A_249 = arith.addf %add3A_236, %get3A_248 : vector<16xf32>
    %get3A_250 = arith.constant 176 : index
    %get3A_251 = tpu.vector_load %arg12[%get3A_250] {strides = array<i32>} : memref<256xi32, #tpu.memory_space<vmem>>, vector<16xi32>,
    %and3A_252 = arith.constant 65535 : i32
    %and3A_253 = vector.broadcast %and3A_252 : i32 to vector<16xi32>
    %and3A_254 = arith.andi %get3A_251, %and3A_253 : vector<16xi32>
    %add3A_255 = arith.addi %add3A_242, %and3A_254 : vector<16xi32>
    %shift_right_logical3A_256 = arith.constant 16 : i32
    %shift_right_logical3A_257 = vector.broadcast %shift_right_logical3A_256 : i32 to vector<16xi32>
    %shift_right_logical3A_258 = arith.shrui %get3A_251, %shift_right_logical3A_257 : vector<16xi32>
    %add3A_259 = arith.addi %add3A_246, %shift_right_logical3A_258 : vector<16xi32>
    %get3A_260 = arith.constant 192 : index
    %get3A_261 = tpu.vector_load %arg11[%get3A_260] {strides = array<i32>} : memref<256xf32, #tpu.memory_space<vmem>>, vector<16xf32>,
    %add3A_262 = arith.addf %add3A_249, %get3A_261 : vector<16xf32>
    %get3A_263 = arith.constant 192 : index
    %get3A_264 = tpu.vector_load %arg12[%get3A_263] {strides = array<i32>} : memref<256xi32, #tpu.memory_space<vmem>>, vector<16xi32>,
    %and3A_265 = arith.constant 65535 : i32
    %and3A_266 = vector.broadcast %and3A_265 : i32 to vector<16xi32>
    %and3A_267 = arith.andi %get3A_264, %and3A_266 : vector<16xi32>
    %add3A_268 = arith.addi %add3A_255, %and3A_267 : vector<16xi32>
    %shift_right_logical3A_269 = arith.constant 16 : i32
    %shift_right_logical3A_270 = vector.broadcast %shift_right_logical3A_269 : i32 to vector<16xi32>
    %shift_right_logical3A_271 = arith.shrui %get3A_264, %shift_right_logical3A_270 : vector<16xi32>
    %add3A_272 = arith.addi %add3A_259, %shift_right_logical3A_271 : vector<16xi32>
    %get3A_273 = arith.constant 208 : index
    %get3A_274 = tpu.vector_load %arg11[%get3A_273] {strides = array<i32>} : memref<256xf32, #tpu.memory_space<vmem>>, vector<16xf32>,
    %add3A_275 = arith.addf %add3A_262, %get3A_274 : vector<16xf32>
    %get3A_276 = arith.constant 208 : index
    %get3A_277 = tpu.vector_load %arg12[%get3A_276] {strides = array<i32>} : memref<256xi32, #tpu.memory_space<vmem>>, vector<16xi32>,
    %and3A_278 = arith.constant 65535 : i32
    %and3A_279 = vector.broadcast %and3A_278 : i32 to vector<16xi32>
    %and3A_280 = arith.andi %get3A_277, %and3A_279 : vector<16xi32>
    %add3A_281 = arith.addi %add3A_268, %and3A_280 : vector<16xi32>
    %shift_right_logical3A_282 = arith.constant 16 : i32
    %shift_right_logical3A_283 = vector.broadcast %shift_right_logical3A_282 : i32 to vector<16xi32>
    %shift_right_logical3A_284 = arith.shrui %get3A_277, %shift_right_logical3A_283 : vector<16xi32>
    %add3A_285 = arith.addi %add3A_272, %shift_right_logical3A_284 : vector<16xi32>
    %get3A_286 = arith.constant 224 : index
    %get3A_287 = tpu.vector_load %arg11[%get3A_286] {strides = array<i32>} : memref<256xf32, #tpu.memory_space<vmem>>, vector<16xf32>,
    %add3A_288 = arith.addf %add3A_275, %get3A_287 : vector<16xf32>
    %get3A_289 = arith.constant 224 : index
    %get3A_290 = tpu.vector_load %arg12[%get3A_289] {strides = array<i32>} : memref<256xi32, #tpu.memory_space<vmem>>, vector<16xi32>,
    %and3A_291 = arith.constant 65535 : i32
    %and3A_292 = vector.broadcast %and3A_291 : i32 to vector<16xi32>
    %and3A_293 = arith.andi %get3A_290, %and3A_292 : vector<16xi32>
    %add3A_294 = arith.addi %add3A_281, %and3A_293 : vector<16xi32>
    %shift_right_logical3A_295 = arith.constant 16 : i32
    %shift_right_logical3A_296 = vector.broadcast %shift_right_logical3A_295 : i32 to vector<16xi32>
    %shift_right_logical3A_297 = arith.shrui %get3A_290, %shift_right_logical3A_296 : vector<16xi32>
    %add3A_298 = arith.addi %add3A_285, %shift_right_logical3A_297 : vector<16xi32>
    %get3A_299 = arith.constant 240 : index
    %get3A_300 = tpu.vector_load %arg11[%get3A_299] {strides = array<i32>} : memref<256xf32, #tpu.memory_space<vmem>>, vector<16xf32>,
    %add3A_301 = arith.addf %add3A_288, %get3A_300 : vector<16xf32>
    %get3A_302 = arith.constant 240 : index
    %get3A_303 = tpu.vector_load %arg12[%get3A_302] {strides = array<i32>} : memref<256xi32, #tpu.memory_space<vmem>>, vector<16xi32>,
    %and3A_304 = arith.constant 65535 : i32
    %and3A_305 = vector.broadcast %and3A_304 : i32 to vector<16xi32>
    %and3A_306 = arith.andi %get3A_303, %and3A_305 : vector<16xi32>
    %add3A_307 = arith.addi %add3A_294, %and3A_306 : vector<16xi32>
    %shift_right_logical3A_308 = arith.constant 16 : i32
    %shift_right_logical3A_309 = vector.broadcast %shift_right_logical3A_308 : i32 to vector<16xi32>
    %shift_right_logical3A_310 = arith.shrui %get3A_303, %shift_right_logical3A_309 : vector<16xi32>
    %add3A_311 = arith.addi %add3A_298, %shift_right_logical3A_310 : vector<16xi32>
    %swap3A_312 = arith.constant 0 : index
    %swap3A_313 = tpu.vector_load %arg13[%swap3A_312] {strides = array<i32>} : memref<48xf32, #tpu.memory_space<vmem>>, vector<16xf32>,
    tpu.vector_store %arg13[%swap3A_312], %add3A_301 {strides = array<i32>} : memref<48xf32, #tpu.memory_space<vmem>>, vector<16xf32>,
    %convert_element_type3A = arith.sitofp %add3A_311 : vector<16xi32> to vector<16xf32>
    %swap3A_314 = arith.constant 16 : index
    %swap3A_315 = tpu.vector_load %arg13[%swap3A_314] {strides = array<i32>} : memref<48xf32, #tpu.memory_space<vmem>>, vector<16xf32>,
    tpu.vector_store %arg13[%swap3A_314], %convert_element_type3A {strides = array<i32>} : memref<48xf32, #tpu.memory_space<vmem>>, vector<16xf32>,
    %convert_element_type3A_316 = arith.sitofp %add3A_307 : vector<16xi32> to vector<16xf32>
    %swap3A_317 = arith.constant 32 : index
    %swap3A_318 = tpu.vector_load %arg13[%swap3A_317] {strides = array<i32>} : memref<48xf32, #tpu.memory_space<vmem>>, vector<16xf32>,
    tpu.vector_store %arg13[%swap3A_317], %convert_element_type3A_316 {strides = array<i32>} : memref<48xf32, #tpu.memory_space<vmem>>, vector<16xf32>,
    "tpu.region"() ({
      %run_scoped3A = tpu.sem_alloc : memref<!tpu.dma_semaphore, #tpu.memory_space<semaphore_mem>>
      %dma_start3A_319 = arith.constant 0 : i32
      %dma_start3A_320 = tpu.memref_slice %arg5[%add3A, %dma_start3A_319] : memref<32x48xf32, #tpu.memory_space<hbm>> -> memref<1x48xf32, #tpu.memory_space<hbm>>
      %dma_start3A_321 = tpu.memref_squeeze %dma_start3A_320 : memref<1x48xf32, #tpu.memory_space<hbm>> -> memref<48xf32, #tpu.memory_space<hbm>>
      %dma_start3A_322 = arith.constant 0 : i32
      %dma_start3A_323 = tpu.memref_slice %arg5[%add3A, %dma_start3A_322] : memref<32x48xf32, #tpu.memory_space<hbm>> -> memref<1x48xf32, #tpu.memory_space<hbm>>
      %dma_start3A_324 = tpu.memref_squeeze %dma_start3A_323 : memref<1x48xf32, #tpu.memory_space<hbm>> -> memref<48xf32, #tpu.memory_space<hbm>>
      tpu.enqueue_dma source(%arg13 : memref<48xf32, #tpu.memory_space<vmem>>) target(%dma_start3A_324 : memref<48xf32, #tpu.memory_space<hbm>>) target_semaphore(%run_scoped3A : memref<!tpu.dma_semaphore, #tpu.memory_space<semaphore_mem>>)
      %dma_wait3A = arith.constant 0 : i32
      %dma_wait3A_325 = tpu.memref_slice %arg5[%add3A, %dma_wait3A] : memref<32x48xf32, #tpu.memory_space<hbm>> -> memref<1x48xf32, #tpu.memory_space<hbm>>
      %dma_wait3A_326 = tpu.memref_squeeze %dma_wait3A_325 : memref<1x48xf32, #tpu.memory_space<hbm>> -> memref<48xf32, #tpu.memory_space<hbm>>
      %dma_wait3A_327 = arith.constant 0 : i32
      %dma_wait3A_328 = tpu.memref_slice %arg5[%add3A, %dma_wait3A_327] : memref<32x48xf32, #tpu.memory_space<hbm>> -> memref<1x48xf32, #tpu.memory_space<hbm>>
      %dma_wait3A_329 = tpu.memref_squeeze %dma_wait3A_328 : memref<1x48xf32, #tpu.memory_space<hbm>> -> memref<48xf32, #tpu.memory_space<hbm>>
      tpu.wait_dma2 semaphore(%run_scoped3A : memref<!tpu.dma_semaphore, #tpu.memory_space<semaphore_mem>>) src(%arg13 : memref<48xf32, #tpu.memory_space<vmem>>) dst(%dma_wait3A_329 : memref<48xf32, #tpu.memory_space<hbm>>)
      tpu.yield
    }) : () -> ()
    return
  }
}

module attributes {stable_mosaic.version = 14 : i64} {
  func.func @_tc_body(%arg0: i32, %arg1: memref<16xf32, #tpu.memory_space<smem>>, %arg2: memref<512x512xf32, #tpu.memory_space<vmem>>, %arg3: memref<512x512xf32, #tpu.memory_space<vmem>>, %arg4: memref<1x32x512xf32, #tpu.memory_space<vmem>>) attributes {dimension_semantics = [#tpu.dimension_semantics<arbitrary>], iteration_bounds = array<i64: 12>, scalar_prefetch = 0 : i64, scratch_operands = 0 : i64, tpu.core_type = #tpu.core_type<tc>, window_params = [{transform_indices = @transform_0, window_bounds = array<i64: 16>}, {transform_indices = @transform_1, window_bounds = array<i64: 512, 512>}, {transform_indices = @transform_2, window_bounds = array<i64: 512, 512>}, {transform_indices = @transform_3, window_bounds = array<i64: 1, 32, 512>}]} {
    %get3A = arith.constant 0 : index
    %get3A_0 = arith.constant 0 : index
    %get3A_1 = vector.load %arg2[%get3A, %get3A_0] : memref<512x512xf32, #tpu.memory_space<vmem>>, vector<512x512xf32>
    %get3A_2 = arith.constant 0 : index
    %get3A_3 = arith.constant 0 : index
    %get3A_4 = vector.load %arg3[%get3A_2, %get3A_3] : memref<512x512xf32, #tpu.memory_space<vmem>>, vector<512x512xf32>
    %gt3A = arith.constant 5.000000e-01 : f32
    %gt3A_5 = vector.broadcast %gt3A : f32 to vector<512x512xf32>
    %gt3A_6 = arith.cmpf ogt, %get3A_4, %gt3A_5 : vector<512x512xf32>
    %convert_element_type3A = arith.extui %gt3A_6 : vector<512x512xi1> to vector<512x512xi32>
    %convert_element_type3A_7 = arith.sitofp %convert_element_type3A : vector<512x512xi32> to vector<512x512xf32>
    %get3A_8 = arith.constant 1 : index
    %get3A_9 = memref.load %arg1[%get3A_8] : memref<16xf32, #tpu.memory_space<smem>>
    %gt3A_10 = vector.broadcast %get3A_9 : f32 to vector<512x512xf32>
    %gt3A_11 = arith.cmpf ogt, %get3A_1, %gt3A_10 : vector<512x512xf32>
    %convert_element_type3A_12 = arith.extui %gt3A_11 : vector<512x512xi1> to vector<512x512xi32>
    %convert_element_type3A_13 = arith.sitofp %convert_element_type3A_12 : vector<512x512xi32> to vector<512x512xf32>
    %mul3A = arith.mulf %get3A_1, %convert_element_type3A_13 : vector<512x512xf32>
    %reduce_sum3A = arith.constant dense<0.000000e+00> : vector<512xf32>
    %reduce_sum3A_14 = vector.multi_reduction <add>, %mul3A, %reduce_sum3A [0] : vector<512x512xf32> to vector<512xf32>
    %swap3A = arith.constant 0 : index
    %swap3A_15 = arith.constant 0 : index
    %swap3A_16 = arith.constant 0 : index
    %swap3A_17 = vector.load %arg4[%swap3A, %swap3A_15, %swap3A_16] : memref<1x32x512xf32, #tpu.memory_space<vmem>>, vector<1x1x512xf32>
    %swap3A_18 = vector.shape_cast %swap3A_17 : vector<1x1x512xf32> to vector<512xf32>
    %swap3A_19 = vector.shape_cast %reduce_sum3A_14 : vector<512xf32> to vector<1x1x512xf32>
    tpu.vector_store %arg4[%swap3A, %swap3A_15, %swap3A_16], %swap3A_19 {strides = array<i32>} : memref<1x32x512xf32, #tpu.memory_space<vmem>>, vector<1x1x512xf32>,
    %reduce_sum3A_20 = arith.constant dense<0.000000e+00> : vector<512xf32>
    %reduce_sum3A_21 = vector.multi_reduction <add>, %convert_element_type3A_13, %reduce_sum3A_20 [0] : vector<512x512xf32> to vector<512xf32>
    %swap3A_22 = arith.constant 0 : index
    %swap3A_23 = arith.constant 9 : index
    %swap3A_24 = arith.constant 0 : index
    %swap3A_25 = vector.load %arg4[%swap3A_22, %swap3A_23, %swap3A_24] : memref<1x32x512xf32, #tpu.memory_space<vmem>>, vector<1x1x512xf32>
    %swap3A_26 = vector.shape_cast %swap3A_25 : vector<1x1x512xf32> to vector<512xf32>
    %swap3A_27 = vector.shape_cast %reduce_sum3A_21 : vector<512xf32> to vector<1x1x512xf32>
    tpu.vector_store %arg4[%swap3A_22, %swap3A_23, %swap3A_24], %swap3A_27 {strides = array<i32>} : memref<1x32x512xf32, #tpu.memory_space<vmem>>, vector<1x1x512xf32>,
    %mul3A_28 = arith.mulf %convert_element_type3A_7, %convert_element_type3A_13 : vector<512x512xf32>
    %reduce_sum3A_29 = arith.constant dense<0.000000e+00> : vector<512xf32>
    %reduce_sum3A_30 = vector.multi_reduction <add>, %mul3A_28, %reduce_sum3A_29 [0] : vector<512x512xf32> to vector<512xf32>
    %swap3A_31 = arith.constant 0 : index
    %swap3A_32 = arith.constant 18 : index
    %swap3A_33 = arith.constant 0 : index
    %swap3A_34 = vector.load %arg4[%swap3A_31, %swap3A_32, %swap3A_33] : memref<1x32x512xf32, #tpu.memory_space<vmem>>, vector<1x1x512xf32>
    %swap3A_35 = vector.shape_cast %swap3A_34 : vector<1x1x512xf32> to vector<512xf32>
    %swap3A_36 = vector.shape_cast %reduce_sum3A_30 : vector<512xf32> to vector<1x1x512xf32>
    tpu.vector_store %arg4[%swap3A_31, %swap3A_32, %swap3A_33], %swap3A_36 {strides = array<i32>} : memref<1x32x512xf32, #tpu.memory_space<vmem>>, vector<1x1x512xf32>,
    %get3A_37 = arith.constant 2 : index
    %get3A_38 = memref.load %arg1[%get3A_37] : memref<16xf32, #tpu.memory_space<smem>>
    %gt3A_39 = vector.broadcast %get3A_38 : f32 to vector<512x512xf32>
    %gt3A_40 = arith.cmpf ogt, %get3A_1, %gt3A_39 : vector<512x512xf32>
    %convert_element_type3A_41 = arith.extui %gt3A_40 : vector<512x512xi1> to vector<512x512xi32>
    %convert_element_type3A_42 = arith.sitofp %convert_element_type3A_41 : vector<512x512xi32> to vector<512x512xf32>
    %mul3A_43 = arith.mulf %get3A_1, %convert_element_type3A_42 : vector<512x512xf32>
    %reduce_sum3A_44 = arith.constant dense<0.000000e+00> : vector<512xf32>
    %reduce_sum3A_45 = vector.multi_reduction <add>, %mul3A_43, %reduce_sum3A_44 [0] : vector<512x512xf32> to vector<512xf32>
    %swap3A_46 = arith.constant 0 : index
    %swap3A_47 = arith.constant 1 : index
    %swap3A_48 = arith.constant 0 : index
    %swap3A_49 = vector.load %arg4[%swap3A_46, %swap3A_47, %swap3A_48] : memref<1x32x512xf32, #tpu.memory_space<vmem>>, vector<1x1x512xf32>
    %swap3A_50 = vector.shape_cast %swap3A_49 : vector<1x1x512xf32> to vector<512xf32>
    %swap3A_51 = vector.shape_cast %reduce_sum3A_45 : vector<512xf32> to vector<1x1x512xf32>
    tpu.vector_store %arg4[%swap3A_46, %swap3A_47, %swap3A_48], %swap3A_51 {strides = array<i32>} : memref<1x32x512xf32, #tpu.memory_space<vmem>>, vector<1x1x512xf32>,
    %reduce_sum3A_52 = arith.constant dense<0.000000e+00> : vector<512xf32>
    %reduce_sum3A_53 = vector.multi_reduction <add>, %convert_element_type3A_42, %reduce_sum3A_52 [0] : vector<512x512xf32> to vector<512xf32>
    %swap3A_54 = arith.constant 0 : index
    %swap3A_55 = arith.constant 10 : index
    %swap3A_56 = arith.constant 0 : index
    %swap3A_57 = vector.load %arg4[%swap3A_54, %swap3A_55, %swap3A_56] : memref<1x32x512xf32, #tpu.memory_space<vmem>>, vector<1x1x512xf32>
    %swap3A_58 = vector.shape_cast %swap3A_57 : vector<1x1x512xf32> to vector<512xf32>
    %swap3A_59 = vector.shape_cast %reduce_sum3A_53 : vector<512xf32> to vector<1x1x512xf32>
    tpu.vector_store %arg4[%swap3A_54, %swap3A_55, %swap3A_56], %swap3A_59 {strides = array<i32>} : memref<1x32x512xf32, #tpu.memory_space<vmem>>, vector<1x1x512xf32>,
    %mul3A_60 = arith.mulf %convert_element_type3A_7, %convert_element_type3A_42 : vector<512x512xf32>
    %reduce_sum3A_61 = arith.constant dense<0.000000e+00> : vector<512xf32>
    %reduce_sum3A_62 = vector.multi_reduction <add>, %mul3A_60, %reduce_sum3A_61 [0] : vector<512x512xf32> to vector<512xf32>
    %swap3A_63 = arith.constant 0 : index
    %swap3A_64 = arith.constant 19 : index
    %swap3A_65 = arith.constant 0 : index
    %swap3A_66 = vector.load %arg4[%swap3A_63, %swap3A_64, %swap3A_65] : memref<1x32x512xf32, #tpu.memory_space<vmem>>, vector<1x1x512xf32>
    %swap3A_67 = vector.shape_cast %swap3A_66 : vector<1x1x512xf32> to vector<512xf32>
    %swap3A_68 = vector.shape_cast %reduce_sum3A_62 : vector<512xf32> to vector<1x1x512xf32>
    tpu.vector_store %arg4[%swap3A_63, %swap3A_64, %swap3A_65], %swap3A_68 {strides = array<i32>} : memref<1x32x512xf32, #tpu.memory_space<vmem>>, vector<1x1x512xf32>,
    %get3A_69 = arith.constant 3 : index
    %get3A_70 = memref.load %arg1[%get3A_69] : memref<16xf32, #tpu.memory_space<smem>>
    %gt3A_71 = vector.broadcast %get3A_70 : f32 to vector<512x512xf32>
    %gt3A_72 = arith.cmpf ogt, %get3A_1, %gt3A_71 : vector<512x512xf32>
    %convert_element_type3A_73 = arith.extui %gt3A_72 : vector<512x512xi1> to vector<512x512xi32>
    %convert_element_type3A_74 = arith.sitofp %convert_element_type3A_73 : vector<512x512xi32> to vector<512x512xf32>
    %mul3A_75 = arith.mulf %get3A_1, %convert_element_type3A_74 : vector<512x512xf32>
    %reduce_sum3A_76 = arith.constant dense<0.000000e+00> : vector<512xf32>
    %reduce_sum3A_77 = vector.multi_reduction <add>, %mul3A_75, %reduce_sum3A_76 [0] : vector<512x512xf32> to vector<512xf32>
    %swap3A_78 = arith.constant 0 : index
    %swap3A_79 = arith.constant 2 : index
    %swap3A_80 = arith.constant 0 : index
    %swap3A_81 = vector.load %arg4[%swap3A_78, %swap3A_79, %swap3A_80] : memref<1x32x512xf32, #tpu.memory_space<vmem>>, vector<1x1x512xf32>
    %swap3A_82 = vector.shape_cast %swap3A_81 : vector<1x1x512xf32> to vector<512xf32>
    %swap3A_83 = vector.shape_cast %reduce_sum3A_77 : vector<512xf32> to vector<1x1x512xf32>
    tpu.vector_store %arg4[%swap3A_78, %swap3A_79, %swap3A_80], %swap3A_83 {strides = array<i32>} : memref<1x32x512xf32, #tpu.memory_space<vmem>>, vector<1x1x512xf32>,
    %reduce_sum3A_84 = arith.constant dense<0.000000e+00> : vector<512xf32>
    %reduce_sum3A_85 = vector.multi_reduction <add>, %convert_element_type3A_74, %reduce_sum3A_84 [0] : vector<512x512xf32> to vector<512xf32>
    %swap3A_86 = arith.constant 0 : index
    %swap3A_87 = arith.constant 11 : index
    %swap3A_88 = arith.constant 0 : index
    %swap3A_89 = vector.load %arg4[%swap3A_86, %swap3A_87, %swap3A_88] : memref<1x32x512xf32, #tpu.memory_space<vmem>>, vector<1x1x512xf32>
    %swap3A_90 = vector.shape_cast %swap3A_89 : vector<1x1x512xf32> to vector<512xf32>
    %swap3A_91 = vector.shape_cast %reduce_sum3A_85 : vector<512xf32> to vector<1x1x512xf32>
    tpu.vector_store %arg4[%swap3A_86, %swap3A_87, %swap3A_88], %swap3A_91 {strides = array<i32>} : memref<1x32x512xf32, #tpu.memory_space<vmem>>, vector<1x1x512xf32>,
    %mul3A_92 = arith.mulf %convert_element_type3A_7, %convert_element_type3A_74 : vector<512x512xf32>
    %reduce_sum3A_93 = arith.constant dense<0.000000e+00> : vector<512xf32>
    %reduce_sum3A_94 = vector.multi_reduction <add>, %mul3A_92, %reduce_sum3A_93 [0] : vector<512x512xf32> to vector<512xf32>
    %swap3A_95 = arith.constant 0 : index
    %swap3A_96 = arith.constant 20 : index
    %swap3A_97 = arith.constant 0 : index
    %swap3A_98 = vector.load %arg4[%swap3A_95, %swap3A_96, %swap3A_97] : memref<1x32x512xf32, #tpu.memory_space<vmem>>, vector<1x1x512xf32>
    %swap3A_99 = vector.shape_cast %swap3A_98 : vector<1x1x512xf32> to vector<512xf32>
    %swap3A_100 = vector.shape_cast %reduce_sum3A_94 : vector<512xf32> to vector<1x1x512xf32>
    tpu.vector_store %arg4[%swap3A_95, %swap3A_96, %swap3A_97], %swap3A_100 {strides = array<i32>} : memref<1x32x512xf32, #tpu.memory_space<vmem>>, vector<1x1x512xf32>,
    %get3A_101 = arith.constant 4 : index
    %get3A_102 = memref.load %arg1[%get3A_101] : memref<16xf32, #tpu.memory_space<smem>>
    %gt3A_103 = vector.broadcast %get3A_102 : f32 to vector<512x512xf32>
    %gt3A_104 = arith.cmpf ogt, %get3A_1, %gt3A_103 : vector<512x512xf32>
    %convert_element_type3A_105 = arith.extui %gt3A_104 : vector<512x512xi1> to vector<512x512xi32>
    %convert_element_type3A_106 = arith.sitofp %convert_element_type3A_105 : vector<512x512xi32> to vector<512x512xf32>
    %mul3A_107 = arith.mulf %get3A_1, %convert_element_type3A_106 : vector<512x512xf32>
    %reduce_sum3A_108 = arith.constant dense<0.000000e+00> : vector<512xf32>
    %reduce_sum3A_109 = vector.multi_reduction <add>, %mul3A_107, %reduce_sum3A_108 [0] : vector<512x512xf32> to vector<512xf32>
    %swap3A_110 = arith.constant 0 : index
    %swap3A_111 = arith.constant 3 : index
    %swap3A_112 = arith.constant 0 : index
    %swap3A_113 = vector.load %arg4[%swap3A_110, %swap3A_111, %swap3A_112] : memref<1x32x512xf32, #tpu.memory_space<vmem>>, vector<1x1x512xf32>
    %swap3A_114 = vector.shape_cast %swap3A_113 : vector<1x1x512xf32> to vector<512xf32>
    %swap3A_115 = vector.shape_cast %reduce_sum3A_109 : vector<512xf32> to vector<1x1x512xf32>
    tpu.vector_store %arg4[%swap3A_110, %swap3A_111, %swap3A_112], %swap3A_115 {strides = array<i32>} : memref<1x32x512xf32, #tpu.memory_space<vmem>>, vector<1x1x512xf32>,
    %reduce_sum3A_116 = arith.constant dense<0.000000e+00> : vector<512xf32>
    %reduce_sum3A_117 = vector.multi_reduction <add>, %convert_element_type3A_106, %reduce_sum3A_116 [0] : vector<512x512xf32> to vector<512xf32>
    %swap3A_118 = arith.constant 0 : index
    %swap3A_119 = arith.constant 12 : index
    %swap3A_120 = arith.constant 0 : index
    %swap3A_121 = vector.load %arg4[%swap3A_118, %swap3A_119, %swap3A_120] : memref<1x32x512xf32, #tpu.memory_space<vmem>>, vector<1x1x512xf32>
    %swap3A_122 = vector.shape_cast %swap3A_121 : vector<1x1x512xf32> to vector<512xf32>
    %swap3A_123 = vector.shape_cast %reduce_sum3A_117 : vector<512xf32> to vector<1x1x512xf32>
    tpu.vector_store %arg4[%swap3A_118, %swap3A_119, %swap3A_120], %swap3A_123 {strides = array<i32>} : memref<1x32x512xf32, #tpu.memory_space<vmem>>, vector<1x1x512xf32>,
    %mul3A_124 = arith.mulf %convert_element_type3A_7, %convert_element_type3A_106 : vector<512x512xf32>
    %reduce_sum3A_125 = arith.constant dense<0.000000e+00> : vector<512xf32>
    %reduce_sum3A_126 = vector.multi_reduction <add>, %mul3A_124, %reduce_sum3A_125 [0] : vector<512x512xf32> to vector<512xf32>
    %swap3A_127 = arith.constant 0 : index
    %swap3A_128 = arith.constant 21 : index
    %swap3A_129 = arith.constant 0 : index
    %swap3A_130 = vector.load %arg4[%swap3A_127, %swap3A_128, %swap3A_129] : memref<1x32x512xf32, #tpu.memory_space<vmem>>, vector<1x1x512xf32>
    %swap3A_131 = vector.shape_cast %swap3A_130 : vector<1x1x512xf32> to vector<512xf32>
    %swap3A_132 = vector.shape_cast %reduce_sum3A_126 : vector<512xf32> to vector<1x1x512xf32>
    tpu.vector_store %arg4[%swap3A_127, %swap3A_128, %swap3A_129], %swap3A_132 {strides = array<i32>} : memref<1x32x512xf32, #tpu.memory_space<vmem>>, vector<1x1x512xf32>,
    %get3A_133 = arith.constant 5 : index
    %get3A_134 = memref.load %arg1[%get3A_133] : memref<16xf32, #tpu.memory_space<smem>>
    %gt3A_135 = vector.broadcast %get3A_134 : f32 to vector<512x512xf32>
    %gt3A_136 = arith.cmpf ogt, %get3A_1, %gt3A_135 : vector<512x512xf32>
    %convert_element_type3A_137 = arith.extui %gt3A_136 : vector<512x512xi1> to vector<512x512xi32>
    %convert_element_type3A_138 = arith.sitofp %convert_element_type3A_137 : vector<512x512xi32> to vector<512x512xf32>
    %mul3A_139 = arith.mulf %get3A_1, %convert_element_type3A_138 : vector<512x512xf32>
    %reduce_sum3A_140 = arith.constant dense<0.000000e+00> : vector<512xf32>
    %reduce_sum3A_141 = vector.multi_reduction <add>, %mul3A_139, %reduce_sum3A_140 [0] : vector<512x512xf32> to vector<512xf32>
    %swap3A_142 = arith.constant 0 : index
    %swap3A_143 = arith.constant 4 : index
    %swap3A_144 = arith.constant 0 : index
    %swap3A_145 = vector.load %arg4[%swap3A_142, %swap3A_143, %swap3A_144] : memref<1x32x512xf32, #tpu.memory_space<vmem>>, vector<1x1x512xf32>
    %swap3A_146 = vector.shape_cast %swap3A_145 : vector<1x1x512xf32> to vector<512xf32>
    %swap3A_147 = vector.shape_cast %reduce_sum3A_141 : vector<512xf32> to vector<1x1x512xf32>
    tpu.vector_store %arg4[%swap3A_142, %swap3A_143, %swap3A_144], %swap3A_147 {strides = array<i32>} : memref<1x32x512xf32, #tpu.memory_space<vmem>>, vector<1x1x512xf32>,
    %reduce_sum3A_148 = arith.constant dense<0.000000e+00> : vector<512xf32>
    %reduce_sum3A_149 = vector.multi_reduction <add>, %convert_element_type3A_138, %reduce_sum3A_148 [0] : vector<512x512xf32> to vector<512xf32>
    %swap3A_150 = arith.constant 0 : index
    %swap3A_151 = arith.constant 13 : index
    %swap3A_152 = arith.constant 0 : index
    %swap3A_153 = vector.load %arg4[%swap3A_150, %swap3A_151, %swap3A_152] : memref<1x32x512xf32, #tpu.memory_space<vmem>>, vector<1x1x512xf32>
    %swap3A_154 = vector.shape_cast %swap3A_153 : vector<1x1x512xf32> to vector<512xf32>
    %swap3A_155 = vector.shape_cast %reduce_sum3A_149 : vector<512xf32> to vector<1x1x512xf32>
    tpu.vector_store %arg4[%swap3A_150, %swap3A_151, %swap3A_152], %swap3A_155 {strides = array<i32>} : memref<1x32x512xf32, #tpu.memory_space<vmem>>, vector<1x1x512xf32>,
    %mul3A_156 = arith.mulf %convert_element_type3A_7, %convert_element_type3A_138 : vector<512x512xf32>
    %reduce_sum3A_157 = arith.constant dense<0.000000e+00> : vector<512xf32>
    %reduce_sum3A_158 = vector.multi_reduction <add>, %mul3A_156, %reduce_sum3A_157 [0] : vector<512x512xf32> to vector<512xf32>
    %swap3A_159 = arith.constant 0 : index
    %swap3A_160 = arith.constant 22 : index
    %swap3A_161 = arith.constant 0 : index
    %swap3A_162 = vector.load %arg4[%swap3A_159, %swap3A_160, %swap3A_161] : memref<1x32x512xf32, #tpu.memory_space<vmem>>, vector<1x1x512xf32>
    %swap3A_163 = vector.shape_cast %swap3A_162 : vector<1x1x512xf32> to vector<512xf32>
    %swap3A_164 = vector.shape_cast %reduce_sum3A_158 : vector<512xf32> to vector<1x1x512xf32>
    tpu.vector_store %arg4[%swap3A_159, %swap3A_160, %swap3A_161], %swap3A_164 {strides = array<i32>} : memref<1x32x512xf32, #tpu.memory_space<vmem>>, vector<1x1x512xf32>,
    %get3A_165 = arith.constant 6 : index
    %get3A_166 = memref.load %arg1[%get3A_165] : memref<16xf32, #tpu.memory_space<smem>>
    %gt3A_167 = vector.broadcast %get3A_166 : f32 to vector<512x512xf32>
    %gt3A_168 = arith.cmpf ogt, %get3A_1, %gt3A_167 : vector<512x512xf32>
    %convert_element_type3A_169 = arith.extui %gt3A_168 : vector<512x512xi1> to vector<512x512xi32>
    %convert_element_type3A_170 = arith.sitofp %convert_element_type3A_169 : vector<512x512xi32> to vector<512x512xf32>
    %mul3A_171 = arith.mulf %get3A_1, %convert_element_type3A_170 : vector<512x512xf32>
    %reduce_sum3A_172 = arith.constant dense<0.000000e+00> : vector<512xf32>
    %reduce_sum3A_173 = vector.multi_reduction <add>, %mul3A_171, %reduce_sum3A_172 [0] : vector<512x512xf32> to vector<512xf32>
    %swap3A_174 = arith.constant 0 : index
    %swap3A_175 = arith.constant 5 : index
    %swap3A_176 = arith.constant 0 : index
    %swap3A_177 = vector.load %arg4[%swap3A_174, %swap3A_175, %swap3A_176] : memref<1x32x512xf32, #tpu.memory_space<vmem>>, vector<1x1x512xf32>
    %swap3A_178 = vector.shape_cast %swap3A_177 : vector<1x1x512xf32> to vector<512xf32>
    %swap3A_179 = vector.shape_cast %reduce_sum3A_173 : vector<512xf32> to vector<1x1x512xf32>
    tpu.vector_store %arg4[%swap3A_174, %swap3A_175, %swap3A_176], %swap3A_179 {strides = array<i32>} : memref<1x32x512xf32, #tpu.memory_space<vmem>>, vector<1x1x512xf32>,
    %reduce_sum3A_180 = arith.constant dense<0.000000e+00> : vector<512xf32>
    %reduce_sum3A_181 = vector.multi_reduction <add>, %convert_element_type3A_170, %reduce_sum3A_180 [0] : vector<512x512xf32> to vector<512xf32>
    %swap3A_182 = arith.constant 0 : index
    %swap3A_183 = arith.constant 14 : index
    %swap3A_184 = arith.constant 0 : index
    %swap3A_185 = vector.load %arg4[%swap3A_182, %swap3A_183, %swap3A_184] : memref<1x32x512xf32, #tpu.memory_space<vmem>>, vector<1x1x512xf32>
    %swap3A_186 = vector.shape_cast %swap3A_185 : vector<1x1x512xf32> to vector<512xf32>
    %swap3A_187 = vector.shape_cast %reduce_sum3A_181 : vector<512xf32> to vector<1x1x512xf32>
    tpu.vector_store %arg4[%swap3A_182, %swap3A_183, %swap3A_184], %swap3A_187 {strides = array<i32>} : memref<1x32x512xf32, #tpu.memory_space<vmem>>, vector<1x1x512xf32>,
    %mul3A_188 = arith.mulf %convert_element_type3A_7, %convert_element_type3A_170 : vector<512x512xf32>
    %reduce_sum3A_189 = arith.constant dense<0.000000e+00> : vector<512xf32>
    %reduce_sum3A_190 = vector.multi_reduction <add>, %mul3A_188, %reduce_sum3A_189 [0] : vector<512x512xf32> to vector<512xf32>
    %swap3A_191 = arith.constant 0 : index
    %swap3A_192 = arith.constant 23 : index
    %swap3A_193 = arith.constant 0 : index
    %swap3A_194 = vector.load %arg4[%swap3A_191, %swap3A_192, %swap3A_193] : memref<1x32x512xf32, #tpu.memory_space<vmem>>, vector<1x1x512xf32>
    %swap3A_195 = vector.shape_cast %swap3A_194 : vector<1x1x512xf32> to vector<512xf32>
    %swap3A_196 = vector.shape_cast %reduce_sum3A_190 : vector<512xf32> to vector<1x1x512xf32>
    tpu.vector_store %arg4[%swap3A_191, %swap3A_192, %swap3A_193], %swap3A_196 {strides = array<i32>} : memref<1x32x512xf32, #tpu.memory_space<vmem>>, vector<1x1x512xf32>,
    %get3A_197 = arith.constant 7 : index
    %get3A_198 = memref.load %arg1[%get3A_197] : memref<16xf32, #tpu.memory_space<smem>>
    %gt3A_199 = vector.broadcast %get3A_198 : f32 to vector<512x512xf32>
    %gt3A_200 = arith.cmpf ogt, %get3A_1, %gt3A_199 : vector<512x512xf32>
    %convert_element_type3A_201 = arith.extui %gt3A_200 : vector<512x512xi1> to vector<512x512xi32>
    %convert_element_type3A_202 = arith.sitofp %convert_element_type3A_201 : vector<512x512xi32> to vector<512x512xf32>
    %mul3A_203 = arith.mulf %get3A_1, %convert_element_type3A_202 : vector<512x512xf32>
    %reduce_sum3A_204 = arith.constant dense<0.000000e+00> : vector<512xf32>
    %reduce_sum3A_205 = vector.multi_reduction <add>, %mul3A_203, %reduce_sum3A_204 [0] : vector<512x512xf32> to vector<512xf32>
    %swap3A_206 = arith.constant 0 : index
    %swap3A_207 = arith.constant 6 : index
    %swap3A_208 = arith.constant 0 : index
    %swap3A_209 = vector.load %arg4[%swap3A_206, %swap3A_207, %swap3A_208] : memref<1x32x512xf32, #tpu.memory_space<vmem>>, vector<1x1x512xf32>
    %swap3A_210 = vector.shape_cast %swap3A_209 : vector<1x1x512xf32> to vector<512xf32>
    %swap3A_211 = vector.shape_cast %reduce_sum3A_205 : vector<512xf32> to vector<1x1x512xf32>
    tpu.vector_store %arg4[%swap3A_206, %swap3A_207, %swap3A_208], %swap3A_211 {strides = array<i32>} : memref<1x32x512xf32, #tpu.memory_space<vmem>>, vector<1x1x512xf32>,
    %reduce_sum3A_212 = arith.constant dense<0.000000e+00> : vector<512xf32>
    %reduce_sum3A_213 = vector.multi_reduction <add>, %convert_element_type3A_202, %reduce_sum3A_212 [0] : vector<512x512xf32> to vector<512xf32>
    %swap3A_214 = arith.constant 0 : index
    %swap3A_215 = arith.constant 15 : index
    %swap3A_216 = arith.constant 0 : index
    %swap3A_217 = vector.load %arg4[%swap3A_214, %swap3A_215, %swap3A_216] : memref<1x32x512xf32, #tpu.memory_space<vmem>>, vector<1x1x512xf32>
    %swap3A_218 = vector.shape_cast %swap3A_217 : vector<1x1x512xf32> to vector<512xf32>
    %swap3A_219 = vector.shape_cast %reduce_sum3A_213 : vector<512xf32> to vector<1x1x512xf32>
    tpu.vector_store %arg4[%swap3A_214, %swap3A_215, %swap3A_216], %swap3A_219 {strides = array<i32>} : memref<1x32x512xf32, #tpu.memory_space<vmem>>, vector<1x1x512xf32>,
    %mul3A_220 = arith.mulf %convert_element_type3A_7, %convert_element_type3A_202 : vector<512x512xf32>
    %reduce_sum3A_221 = arith.constant dense<0.000000e+00> : vector<512xf32>
    %reduce_sum3A_222 = vector.multi_reduction <add>, %mul3A_220, %reduce_sum3A_221 [0] : vector<512x512xf32> to vector<512xf32>
    %swap3A_223 = arith.constant 0 : index
    %swap3A_224 = arith.constant 24 : index
    %swap3A_225 = arith.constant 0 : index
    %swap3A_226 = vector.load %arg4[%swap3A_223, %swap3A_224, %swap3A_225] : memref<1x32x512xf32, #tpu.memory_space<vmem>>, vector<1x1x512xf32>
    %swap3A_227 = vector.shape_cast %swap3A_226 : vector<1x1x512xf32> to vector<512xf32>
    %swap3A_228 = vector.shape_cast %reduce_sum3A_222 : vector<512xf32> to vector<1x1x512xf32>
    tpu.vector_store %arg4[%swap3A_223, %swap3A_224, %swap3A_225], %swap3A_228 {strides = array<i32>} : memref<1x32x512xf32, #tpu.memory_space<vmem>>, vector<1x1x512xf32>,
    %get3A_229 = arith.constant 8 : index
    %get3A_230 = memref.load %arg1[%get3A_229] : memref<16xf32, #tpu.memory_space<smem>>
    %gt3A_231 = vector.broadcast %get3A_230 : f32 to vector<512x512xf32>
    %gt3A_232 = arith.cmpf ogt, %get3A_1, %gt3A_231 : vector<512x512xf32>
    %convert_element_type3A_233 = arith.extui %gt3A_232 : vector<512x512xi1> to vector<512x512xi32>
    %convert_element_type3A_234 = arith.sitofp %convert_element_type3A_233 : vector<512x512xi32> to vector<512x512xf32>
    %mul3A_235 = arith.mulf %get3A_1, %convert_element_type3A_234 : vector<512x512xf32>
    %reduce_sum3A_236 = arith.constant dense<0.000000e+00> : vector<512xf32>
    %reduce_sum3A_237 = vector.multi_reduction <add>, %mul3A_235, %reduce_sum3A_236 [0] : vector<512x512xf32> to vector<512xf32>
    %swap3A_238 = arith.constant 0 : index
    %swap3A_239 = arith.constant 7 : index
    %swap3A_240 = arith.constant 0 : index
    %swap3A_241 = vector.load %arg4[%swap3A_238, %swap3A_239, %swap3A_240] : memref<1x32x512xf32, #tpu.memory_space<vmem>>, vector<1x1x512xf32>
    %swap3A_242 = vector.shape_cast %swap3A_241 : vector<1x1x512xf32> to vector<512xf32>
    %swap3A_243 = vector.shape_cast %reduce_sum3A_237 : vector<512xf32> to vector<1x1x512xf32>
    tpu.vector_store %arg4[%swap3A_238, %swap3A_239, %swap3A_240], %swap3A_243 {strides = array<i32>} : memref<1x32x512xf32, #tpu.memory_space<vmem>>, vector<1x1x512xf32>,
    %reduce_sum3A_244 = arith.constant dense<0.000000e+00> : vector<512xf32>
    %reduce_sum3A_245 = vector.multi_reduction <add>, %convert_element_type3A_234, %reduce_sum3A_244 [0] : vector<512x512xf32> to vector<512xf32>
    %swap3A_246 = arith.constant 0 : index
    %swap3A_247 = arith.constant 16 : index
    %swap3A_248 = arith.constant 0 : index
    %swap3A_249 = vector.load %arg4[%swap3A_246, %swap3A_247, %swap3A_248] : memref<1x32x512xf32, #tpu.memory_space<vmem>>, vector<1x1x512xf32>
    %swap3A_250 = vector.shape_cast %swap3A_249 : vector<1x1x512xf32> to vector<512xf32>
    %swap3A_251 = vector.shape_cast %reduce_sum3A_245 : vector<512xf32> to vector<1x1x512xf32>
    tpu.vector_store %arg4[%swap3A_246, %swap3A_247, %swap3A_248], %swap3A_251 {strides = array<i32>} : memref<1x32x512xf32, #tpu.memory_space<vmem>>, vector<1x1x512xf32>,
    %mul3A_252 = arith.mulf %convert_element_type3A_7, %convert_element_type3A_234 : vector<512x512xf32>
    %reduce_sum3A_253 = arith.constant dense<0.000000e+00> : vector<512xf32>
    %reduce_sum3A_254 = vector.multi_reduction <add>, %mul3A_252, %reduce_sum3A_253 [0] : vector<512x512xf32> to vector<512xf32>
    %swap3A_255 = arith.constant 0 : index
    %swap3A_256 = arith.constant 25 : index
    %swap3A_257 = arith.constant 0 : index
    %swap3A_258 = vector.load %arg4[%swap3A_255, %swap3A_256, %swap3A_257] : memref<1x32x512xf32, #tpu.memory_space<vmem>>, vector<1x1x512xf32>
    %swap3A_259 = vector.shape_cast %swap3A_258 : vector<1x1x512xf32> to vector<512xf32>
    %swap3A_260 = vector.shape_cast %reduce_sum3A_254 : vector<512xf32> to vector<1x1x512xf32>
    tpu.vector_store %arg4[%swap3A_255, %swap3A_256, %swap3A_257], %swap3A_260 {strides = array<i32>} : memref<1x32x512xf32, #tpu.memory_space<vmem>>, vector<1x1x512xf32>,
    %get3A_261 = arith.constant 9 : index
    %get3A_262 = memref.load %arg1[%get3A_261] : memref<16xf32, #tpu.memory_space<smem>>
    %gt3A_263 = vector.broadcast %get3A_262 : f32 to vector<512x512xf32>
    %gt3A_264 = arith.cmpf ogt, %get3A_1, %gt3A_263 : vector<512x512xf32>
    %convert_element_type3A_265 = arith.extui %gt3A_264 : vector<512x512xi1> to vector<512x512xi32>
    %convert_element_type3A_266 = arith.sitofp %convert_element_type3A_265 : vector<512x512xi32> to vector<512x512xf32>
    %mul3A_267 = arith.mulf %get3A_1, %convert_element_type3A_266 : vector<512x512xf32>
    %reduce_sum3A_268 = arith.constant dense<0.000000e+00> : vector<512xf32>
    %reduce_sum3A_269 = vector.multi_reduction <add>, %mul3A_267, %reduce_sum3A_268 [0] : vector<512x512xf32> to vector<512xf32>
    %swap3A_270 = arith.constant 0 : index
    %swap3A_271 = arith.constant 8 : index
    %swap3A_272 = arith.constant 0 : index
    %swap3A_273 = vector.load %arg4[%swap3A_270, %swap3A_271, %swap3A_272] : memref<1x32x512xf32, #tpu.memory_space<vmem>>, vector<1x1x512xf32>
    %swap3A_274 = vector.shape_cast %swap3A_273 : vector<1x1x512xf32> to vector<512xf32>
    %swap3A_275 = vector.shape_cast %reduce_sum3A_269 : vector<512xf32> to vector<1x1x512xf32>
    tpu.vector_store %arg4[%swap3A_270, %swap3A_271, %swap3A_272], %swap3A_275 {strides = array<i32>} : memref<1x32x512xf32, #tpu.memory_space<vmem>>, vector<1x1x512xf32>,
    %reduce_sum3A_276 = arith.constant dense<0.000000e+00> : vector<512xf32>
    %reduce_sum3A_277 = vector.multi_reduction <add>, %convert_element_type3A_266, %reduce_sum3A_276 [0] : vector<512x512xf32> to vector<512xf32>
    %swap3A_278 = arith.constant 0 : index
    %swap3A_279 = arith.constant 17 : index
    %swap3A_280 = arith.constant 0 : index
    %swap3A_281 = vector.load %arg4[%swap3A_278, %swap3A_279, %swap3A_280] : memref<1x32x512xf32, #tpu.memory_space<vmem>>, vector<1x1x512xf32>
    %swap3A_282 = vector.shape_cast %swap3A_281 : vector<1x1x512xf32> to vector<512xf32>
    %swap3A_283 = vector.shape_cast %reduce_sum3A_277 : vector<512xf32> to vector<1x1x512xf32>
    tpu.vector_store %arg4[%swap3A_278, %swap3A_279, %swap3A_280], %swap3A_283 {strides = array<i32>} : memref<1x32x512xf32, #tpu.memory_space<vmem>>, vector<1x1x512xf32>,
    %mul3A_284 = arith.mulf %convert_element_type3A_7, %convert_element_type3A_266 : vector<512x512xf32>
    %reduce_sum3A_285 = arith.constant dense<0.000000e+00> : vector<512xf32>
    %reduce_sum3A_286 = vector.multi_reduction <add>, %mul3A_284, %reduce_sum3A_285 [0] : vector<512x512xf32> to vector<512xf32>
    %swap3A_287 = arith.constant 0 : index
    %swap3A_288 = arith.constant 26 : index
    %swap3A_289 = arith.constant 0 : index
    %swap3A_290 = vector.load %arg4[%swap3A_287, %swap3A_288, %swap3A_289] : memref<1x32x512xf32, #tpu.memory_space<vmem>>, vector<1x1x512xf32>
    %swap3A_291 = vector.shape_cast %swap3A_290 : vector<1x1x512xf32> to vector<512xf32>
    %swap3A_292 = vector.shape_cast %reduce_sum3A_286 : vector<512xf32> to vector<1x1x512xf32>
    tpu.vector_store %arg4[%swap3A_287, %swap3A_288, %swap3A_289], %swap3A_292 {strides = array<i32>} : memref<1x32x512xf32, #tpu.memory_space<vmem>>, vector<1x1x512xf32>,
    %reduce_sum3A_293 = arith.constant dense<0.000000e+00> : vector<512xf32>
    %reduce_sum3A_294 = vector.multi_reduction <add>, %get3A_1, %reduce_sum3A_293 [0] : vector<512x512xf32> to vector<512xf32>
    %swap3A_295 = arith.constant 0 : index
    %swap3A_296 = arith.constant 27 : index
    %swap3A_297 = arith.constant 0 : index
    %swap3A_298 = vector.load %arg4[%swap3A_295, %swap3A_296, %swap3A_297] : memref<1x32x512xf32, #tpu.memory_space<vmem>>, vector<1x1x512xf32>
    %swap3A_299 = vector.shape_cast %swap3A_298 : vector<1x1x512xf32> to vector<512xf32>
    %swap3A_300 = vector.shape_cast %reduce_sum3A_294 : vector<512xf32> to vector<1x1x512xf32>
    tpu.vector_store %arg4[%swap3A_295, %swap3A_296, %swap3A_297], %swap3A_300 {strides = array<i32>} : memref<1x32x512xf32, #tpu.memory_space<vmem>>, vector<1x1x512xf32>,
    %reduce_sum3A_301 = arith.constant dense<0.000000e+00> : vector<512xf32>
    %reduce_sum3A_302 = vector.multi_reduction <add>, %convert_element_type3A_7, %reduce_sum3A_301 [0] : vector<512x512xf32> to vector<512xf32>
    %swap3A_303 = arith.constant 0 : index
    %swap3A_304 = arith.constant 28 : index
    %swap3A_305 = arith.constant 0 : index
    %swap3A_306 = vector.load %arg4[%swap3A_303, %swap3A_304, %swap3A_305] : memref<1x32x512xf32, #tpu.memory_space<vmem>>, vector<1x1x512xf32>
    %swap3A_307 = vector.shape_cast %swap3A_306 : vector<1x1x512xf32> to vector<512xf32>
    %swap3A_308 = vector.shape_cast %reduce_sum3A_302 : vector<512xf32> to vector<1x1x512xf32>
    tpu.vector_store %arg4[%swap3A_303, %swap3A_304, %swap3A_305], %swap3A_308 {strides = array<i32>} : memref<1x32x512xf32, #tpu.memory_space<vmem>>, vector<1x1x512xf32>,
    %broadcast_in_dim3A = arith.constant 0.000000e+00 : f32
    %broadcast_in_dim3A_309 = vector.broadcast %broadcast_in_dim3A : f32 to vector<512xf32>
    %swap3A_310 = arith.constant 0 : index
    %swap3A_311 = arith.constant 29 : index
    %swap3A_312 = arith.constant 0 : index
    %swap3A_313 = vector.load %arg4[%swap3A_310, %swap3A_311, %swap3A_312] : memref<1x32x512xf32, #tpu.memory_space<vmem>>, vector<1x1x512xf32>
    %swap3A_314 = vector.shape_cast %swap3A_313 : vector<1x1x512xf32> to vector<512xf32>
    %swap3A_315 = vector.shape_cast %broadcast_in_dim3A_309 : vector<512xf32> to vector<1x1x512xf32>
    tpu.vector_store %arg4[%swap3A_310, %swap3A_311, %swap3A_312], %swap3A_315 {strides = array<i32>} : memref<1x32x512xf32, #tpu.memory_space<vmem>>, vector<1x1x512xf32>,
    %broadcast_in_dim3A_316 = arith.constant 0.000000e+00 : f32
    %broadcast_in_dim3A_317 = vector.broadcast %broadcast_in_dim3A_316 : f32 to vector<512xf32>
    %swap3A_318 = arith.constant 0 : index
    %swap3A_319 = arith.constant 30 : index
    %swap3A_320 = arith.constant 0 : index
    %swap3A_321 = vector.load %arg4[%swap3A_318, %swap3A_319, %swap3A_320] : memref<1x32x512xf32, #tpu.memory_space<vmem>>, vector<1x1x512xf32>
    %swap3A_322 = vector.shape_cast %swap3A_321 : vector<1x1x512xf32> to vector<512xf32>
    %swap3A_323 = vector.shape_cast %broadcast_in_dim3A_317 : vector<512xf32> to vector<1x1x512xf32>
    tpu.vector_store %arg4[%swap3A_318, %swap3A_319, %swap3A_320], %swap3A_323 {strides = array<i32>} : memref<1x32x512xf32, #tpu.memory_space<vmem>>, vector<1x1x512xf32>,
    %broadcast_in_dim3A_324 = arith.constant 0.000000e+00 : f32
    %broadcast_in_dim3A_325 = vector.broadcast %broadcast_in_dim3A_324 : f32 to vector<512xf32>
    %swap3A_326 = arith.constant 0 : index
    %swap3A_327 = arith.constant 31 : index
    %swap3A_328 = arith.constant 0 : index
    %swap3A_329 = vector.load %arg4[%swap3A_326, %swap3A_327, %swap3A_328] : memref<1x32x512xf32, #tpu.memory_space<vmem>>, vector<1x1x512xf32>
    %swap3A_330 = vector.shape_cast %swap3A_329 : vector<1x1x512xf32> to vector<512xf32>
    %swap3A_331 = vector.shape_cast %broadcast_in_dim3A_325 : vector<512xf32> to vector<1x1x512xf32>
    tpu.vector_store %arg4[%swap3A_326, %swap3A_327, %swap3A_328], %swap3A_331 {strides = array<i32>} : memref<1x32x512xf32, #tpu.memory_space<vmem>>, vector<1x1x512xf32>,
    return
  }
  func.func @transform_0(%arg0: i32) -> i32 {
    %c0_i32 = arith.constant 0 : i32
    %c0_i32_0 = arith.constant 0 : i32
    return %c0_i32 : i32
  }
  func.func @transform_1(%arg0: i32) -> (i32, i32) {
    %add3A = arith.constant 20 : i32
    %add3A_0 = arith.addi %add3A, %arg0 : i32
    %c0_i32 = arith.constant 0 : i32
    %c0_i32_1 = arith.constant 0 : i32
    return %add3A_0, %c0_i32 : i32, i32
  }
  func.func @transform_2(%arg0: i32) -> (i32, i32) {
    %add3A = arith.constant 20 : i32
    %add3A_0 = arith.addi %add3A, %arg0 : i32
    %c0_i32 = arith.constant 0 : i32
    %c0_i32_1 = arith.constant 0 : i32
    return %add3A_0, %c0_i32 : i32, i32
  }
  func.func @transform_3(%arg0: i32) -> (i32, i32, i32) {
    %c0_i32 = arith.constant 0 : i32
    %c0_i32_0 = arith.constant 0 : i32
    %c0_i32_1 = arith.constant 0 : i32
    return %arg0, %c0_i32, %c0_i32_0 : i32, i32, i32
  }
}

</mosaic_0001>

<sc_bundles>
// kernel: kernel.4.cloned.1.call-start
scs
__scs_entry_jumppad:
0x0: {  	(pc) =	sbr.rel $0x88, $3  }
0x1: {  	(tag) =	ssettag $0x0;
	lr =	simm.s32 $0x1  }
0x2: {  	[smem:$0x3F9F] =	sst lr;
	_ =	strace $0xD0000000  }
0x3: {  	_ = 	snop  }
0x4: {  	_ = 	snop  }
0x5: {  	_ = 	snop  }
0x6: {  	_ = 	snop  }
0x7: {  	_ = 	snop  }
__scs_overlays_trampoline_lowered:
0x8: {  	[smem:$0x3FAE] =	sst s0  }
0x9: {  	[smem:$0x3FAF] =	sst s1  }
0xa: {  	[smem:$0x3FB0] =	sst s2  }
0xb: {  	[smem:$0x3FB1] =	sst s3  }
0xc: {  	[smem:$0x3FB2] =	sst s4  }
0xd: {  	[smem:$0x3FB3] =	sst s5  }
0xe: {  	[smem:$0x3FB4] =	sst s6  }
0xf: {  	[smem:$0x3FB5] =	sst s7  }
0x10: {  	[smem:$0x3FB6] =	sst s8  }
0x11: {  	[smem:$0x3FB7] =	sst s9;
	s0 =	simm.s32 @!p0 $0x0  }
0x12: {  	s1 =	sld [smem:$0x3F9D];
	s0 =	simm.s32 @p0 $0x1  }
0x13: {  	[smem:$0x3FB8] =	sst s0;
	s0 =	simm.s32 @!p1 $0x0  }
0x14: {  	s2 =	sld [smem:$0x3F9C];
	s0 =	simm.s32 @p1 $0x1  }
0x15: {  	[smem:$0x3FB9] =	sst s0;
	s0 =	simm.s32 @!p2 $0x0  }
0x16: {  	s3 =	sld [smem:$0x3FDB];
	s0 =	simm.s32 @p2 $0x1  }
0x17: {  	s4 =	simm.s32 $0x1BF5;
	[smem:$0x3FBB] =	sst s0  }
0x18: {  	s0 =	sld [smem:$0x3F9E];
	_ =	swait.ge [sflag:s4], $0x0  }
0x19: {  	s7 =	sld [smem:$0x3F9F]  }
0x1a: {  	s8 =	sadd.s32 $0xFFFFE003, lr  }
0x1b: {  	s9 =	sadd.s32 $0xFFFFFEF7, lr;
	s5 =	simm.s32 $0xFFFFFFFF;
	p2 =	slt.u32 s8, $0xFFFFF086  }
0x1c: {  	p1 =	slt.u32 s9, $0xF7A;
	s5 =	simm.s32 @!p2 $0x0  }
0x1d: {  	s5 =	simm.s32 @p1 $0x1;
	p0 =	seq.s32 s7, s2  }
0x1e: {  	s7 =	smul.u32 @!p0 $0xF7A, s2;
	p2 =	seq.s32 @!p0 s5, $0x0  }
0x1f: {  	s9 =	smul.u32 $0xF7A, s1;
	s8 =	simm.s32 @!p0 $0x1BF5;
	p2 =	por !p2, p0  }
0x20: {  	[sflag:s8] =	ssyncset.s32 @!p0 $0xFFFFF086;
	s6 =	sadd.s32 @!p0 s3, s7;
	s7 =	simm.s32 @!p0 $0x108  }
0x21: {  	s3 =	sadd.s32 s3, s9;
	s6 =	sadd.s32 @!p0 $0x88, s6;
	s7 =	simm.s32 @p2 $0x1082  }
0x22: {  	[simem:s7], [sflag:s8] =	dma.local @!p0 [hbm:s6], $0xF7A  }
0x23: {  	s9 =	sor.u32 $0xD0000000, s2;
	s6 =	simm.s32 $0x108;
	_ =	swait.ge @!p0 [sflag:s8], $0x0  }
0x24: {  	s3 =	sadd.s32 $0x88, s3;
	s6 =	simm.s32 @!p1 $0x1082;
	[sflag:s4] =	ssyncset.s32 $0xFFFFF086  }
0x25: {  	[simem:s6], [sflag:s4] =	dma.local [hbm:s3], $0xF7A  }
0x26: {  	[smem:$0x3F9F] =	sst s1;
	(tag) =	ssettag s2;
	_ =	strace s9  }
0x27: {  	s1 =	sld [smem:$0x3FAF]  }
0x28: {  	s2 =	sld [smem:$0x3FB0]  }
0x29: {  	s4 =	sld [smem:$0x3FB2]  }
0x2a: {  	p0 =	seq.s32 s5, $0x0;
	s5 =	sld [smem:$0x3FB3]  }
0x2b: {  	s6 =	sld [smem:$0x3FB4]  }
0x2c: {  	s7 =	sld [smem:$0x3FB5]  }
0x2d: {  	s3 =	simm.s32 $0x108;
	s8 =	sld [smem:$0x3FB6]  }
0x2e: {  	s3 =	simm.s32 @!p0 $0x1082;
	s9 =	sld [smem:$0x3FB7]  }
0x2f: {  	lr =	sadd.s32 s0, s3;
	s0 =	sld [smem:$0x3FAE]  }
0x30: {  	s3 =	sld [smem:$0x3FB1]  }
0x31: {  	[smem:$0x3FBA] =	sst s10  }
0x32: {  	s10 =	sld [smem:$0x3FB8];
	_ =	sdelay $0x3  }
0x33: {  	p0 =	seq.s32 s10, $0x1;
	s10 =	sld [smem:$0x3FBA];
	_ =	sdelay $0x3  }
0x34: {  	[smem:$0x3FBA] =	sst s10  }
0x35: {  	s10 =	sld [smem:$0x3FB9];
	_ =	sdelay $0x3  }
0x36: {  	p1 =	seq.s32 s10, $0x1;
	s10 =	sld [smem:$0x3FBA];
	_ =	sdelay $0x3  }
0x37: {  	[smem:$0x3FBA] =	sst s10  }
0x38: {  	s10 =	sld [smem:$0x3FBB]  }
0x39: {  	_ = 	snop;
	(pc) =	sbr.ind lr, $3  }
0x3a: {  	_ = 	snop  }
0x3b: {  	_ = 	snop  }
0x3c: {  	p2 =	seq.s32 s10, $0x1;
	s10 =	sld [smem:$0x3FBA]  }
0x3d: {  	_ =	shalt  }
0x3e: {  	_ =	shalt  }
0x3f: {  	_ =	shalt  }
0x40: {  	_ =	shalt  }
0x41: {  	_ =	shalt  }
0x42: {  	_ =	shalt  }
0x43: {  	_ =	shalt  }
0x44: {  	_ =	shalt  }
0x45: {  	_ =	shalt  }
0x46: {  	_ =	shalt  }
0x47: {  	_ =	shalt  }
0x48: {  	_ =	shalt  }
0x49: {  	_ =	shalt  }
0x4a: {  	_ =	shalt  }
0x4b: {  	_ =	shalt  }
0x4c: {  	_ =	shalt  }
0x4d: {  	_ =	shalt  }
0x4e: {  	_ =	shalt  }
0x4f: {  	_ =	shalt  }
0x50: {  	_ =	shalt  }
0x51: {  	_ =	shalt  }
0x52: {  	_ =	shalt  }
0x53: {  	_ =	shalt  }
0x54: {  	_ =	shalt  }
0x55: {  	_ =	shalt  }
0x56: {  	_ =	shalt  }
0x57: {  	_ =	shalt  }
0x58: {  	_ =	shalt  }
0x59: {  	_ =	shalt  }
0x5a: {  	_ =	shalt  }
0x5b: {  	_ =	shalt  }
0x5c: {  	_ =	shalt  }
0x5d: {  	_ =	shalt  }
0x5e: {  	_ =	shalt  }
0x5f: {  	_ =	shalt  }
0x60: {  	_ =	shalt  }
0x61: {  	_ =	shalt  }
0x62: {  	_ =	shalt  }
0x63: {  	_ =	shalt  }
0x64: {  	_ =	shalt  }
0x65: {  	_ =	shalt  }
0x66: {  	_ =	shalt  }
0x67: {  	_ =	shalt  }
0x68: {  	_ =	shalt  }
0x69: {  	_ =	shalt  }
0x6a: {  	_ =	shalt  }
0x6b: {  	_ =	shalt  }
0x6c: {  	_ =	shalt  }
0x6d: {  	_ =	shalt  }
0x6e: {  	_ =	shalt  }
0x6f: {  	_ =	shalt  }
0x70: {  	_ =	shalt  }
0x71: {  	_ =	shalt  }
0x72: {  	_ =	shalt  }
0x73: {  	_ =	shalt  }
0x74: {  	_ =	shalt  }
0x75: {  	_ =	shalt  }
0x76: {  	_ =	shalt  }
0x77: {  	_ =	shalt  }
0x78: {  	_ =	shalt  }
0x79: {  	_ =	shalt  }
0x7a: {  	_ =	shalt  }
0x7b: {  	_ =	shalt  }
0x7c: {  	_ =	shalt  }
0x7d: {  	_ =	shalt  }
0x7e: {  	_ =	shalt  }
0x7f: {  	_ =	shalt  }
0x80: {  	_ =	shalt  }
0x81: {  	_ =	shalt  }
0x82: {  	_ =	shalt  }
0x83: {  	_ =	shalt  }
0x84: {  	_ =	shalt  }
0x85: {  	_ =	shalt  }
0x86: {  	_ =	shalt  }
0x87: {  	_ =	shalt  }
.Lfunc_end0:
.L_simem_size_0:
called_computation_lowered:
.L_overlay_start_0:
0x88: {  	s2 =	sld [smem:$0x3FD9]  }
0x89: {  	s3 =	sld [smem:$0x3FFE];
	_ =	sdelay $0x1  }
0x8a: {  	s1 =	srdreg.scid  }
0x8b: {  	s0 =	sand.u32 $0x1, s1  }
0x8c: {  	s14 =	sshll.u32 s0, $0xA;
	s2 =	sadd.s32 s3, s2  }
0x8d: {  	s2 =	sadd.s32 s2, s14  }
0x8e: {  	[smem:$0x3FC6] =	sst s2  }
0x8f: {  	_ = 	snop  }
0x90: {  	s2 =	sld [smem:$0x3FD0];
	_ =	sdelay $0x1  }
0x91: {  	s15 =	sld [smem:$0x3FC9]  }
0x92: {  	s5 =	simm.s32 $0xA;
	s6 =	simm.s32 $0x10;
	s4 =	sld [smem:$0x3FC8]  }
0x93: {  	[smem:s6], [sflag:s5] =	dma.local [hbm:s2], $0x1  }
0x94: {  	_ =	swait.eq [sflag:s5], $0x1  }
0x95: {  	[sflag:s5] =	ssyncset.done $0x0  }
0x96: {  	[sflag:s5] =	ssyncadd.s32 $0xFFFFFFFF  }
0x97: {  	s16 =	sld [smem:$0x10];
	(tm) =	ssettm $0x1  }
0x98: {  	s17 =	sld [smem:$0x3FFB];
	_ =	sdelay $0x3  }
0x99: {  	_ =	strace s17  }
0x9a: {  	s5 =	sld [smem:$0x3FFC];
	_ =	sdelay $0x3  }
0x9b: {  	_ =	strace s5  }
0x9c: {  	s5 =	sld [smem:$0x3FFD];
	_ =	sdelay $0x3  }
0x9d: {  	_ =	strace s5  }
0x9e: {  	_ =	strace $0x8FFFFFFF  }
0x9f: {  	s18 =	sld [smem:$0x3FDB];
	_ =	sdelay $0x1  }
0xa0: {  	s19 =	simm.s32 $_scs_section_size  }
0xa1: {  	s7 =	simm.s32 $_size__tile_overlayer_lowered;
	s8 =	simm.s32 $_tile_overlayer_lowered  }
0xa2: {  	s22 =	simm.s32 $0x1BFF;
	s21 =	sshll.u32 s8, $0x1;
	s5 =	sadd.s32 s19, s18  }
0xa3: {  	s9 =	simm.s32 $0x0;
	s20 =	sshll.u32 s7, $0x1;
	s7 =	sadd.s32 s21, s5  }
0xa4: {  	[timem:s9], [sflag:s22] =	dma.local [hbm:s7], s20  }
0xa5: {  	_ =	swait.ge [sflag:s22], s20  }
0xa6: {  	s6 =	ssub.s32 $0x0, s20;
	[sflag:s22] =	ssyncset.done $0x0  }
0xa7: {  	[sflag:s22] =	ssyncadd.s32 s6;
	_ =	sdelay $0x1  }
0xa8: {  	s23 =	simm.s32 $0x1B8B  }
0xa9: {  	_ =	swait.ge [sflag:s23], $0x1  }
0xaa: {  	[sflag:s23] =	ssyncset.done $0x0  }
0xab: {  	s25 =	simm.s32 $0x1B8E;
	s24 =	sld [smem:$0x3FFE];
	[sflag:s23] =	ssyncadd.s32 $0xFFFFFFFF  }
0xac: {  	s26 =	simm.s32 $execute0_lowered;
	[smem:$0x3FD2] =	sst s25  }
0xad: {  	s7 =	sshll.u32 s26, $0x1;
	_ =	strace $0x80000046;
	[dreg:$0x1] =	wrdreg $0xFFFFFFFF  }
0xae: {  	s28 =	simm.s32 $_size_execute0_lowered;
	s5 =	sadd.s32 s5, s7;
	[dreg:$0x0] =	wrdreg $0x0  }
0xaf: {  	s7 =	sshll.u32 s28, $0x1;
	[dreg:$0x2] =	wrdreg s5  }
0xb0: {  	[dreg:$0x3] =	wrdreg s7  }
0xb1: {  	[dreg:$0x4] =	wrdreg $0xC0  }
0xb2: {  	_ =	task [dreg:s9], $0x5FFFF  }
0xb3: {  	[dreg:$0x1] =	wrdreg $0xFFFFFFFF  }
0xb4: {  	[dreg:$0x0] =	wrdreg $0x60  }
0xb5: {  	[dreg:$0x2] =	wrdreg s15  }
0xb6: {  	[dreg:$0x3] =	wrdreg s4  }
0xb7: {  	[dreg:$0x4] =	wrdreg s16  }
0xb8: {  	[dreg:$0x5] =	wrdreg s24  }
0xb9: {  	[dreg:$0x6] =	wrdreg $0x9  }
0xba: {  	_ =	task.clear_ibuf [dreg:s9], $0x7FFFF;
	_ =	strace $0x90000046  }
0xbb: {  	s29 =	simm.s32 $0x9;
	_ =	strace $0x80000048  }
0xbc: {  	_ =	swait.ge [sflag:s29], $0x1  }
0xbd: {  	[sflag:s29] =	ssyncadd.s32 $0xFFFFFFFF  }
0xbe: {  	_ =	strace $0x90000048  }
0xbf: {  	_ =	sfence  }
0xc0: {  	s30 =	sld [smem:$0x0];
	_ =	sdelay $0x2  }
0xc1: {  	s31 =	sshll.u32 s1, $0xD;
	s1 =	sshrl.u32 s1, $0x2  }
0xc2: {  	s3 =	sand.u32 $0x4000, s31;
	s1 =	sadd.s32 s1, s30  }
0xc3: {  	s0 =	sor.u32 s3, s0;
	s1 =	sshll.u32 s1, $0x11  }
0xc4: {  	s0 =	sor.u32 s1, s0  }
0xc5: {  	s0 =	sadd.s32 $0x8F2B, s0  }
0xc6: {  	[sflag:s0] =	ssyncadd.remote.s32 $0x1  }
0xc7: {  	_ =	sfence.sel $0xFFFF  }
0xc8: {  	[dreg:$0x0] =	wrdreg $0xFFFFFFFF;
	(pc) =	sbr.abs _section_cstart, $3  }
0xc9: {  	[dreg:$0x1] =	wrdreg $0xFFFFFFFF  }
0xca: {  	_ =	task.clear_ibuf [dreg:s9], $0x2FFFF;
	_ =	strace $0x9FFFFFFF  }
0xcb: {  	(tm) =	ssettm $0x7FFFFFFF  }
tec
execute0_lowered:
.L_overlay_start_1:
0x0: {  	(tag) =	ssettag $0x1  }
0x1: {  	s1 =	rddreg [dreg:$0x0]  }
0x2: {  	s2 =	rddreg [dreg:$0x1]  }
0x3: {  	s0 =	rddreg [dreg:$0x3]  }
0x4: {  	s3 =	srdreg.scid;
	s4 =	stileid.u32;
	s5 =	simm.s32 $0x0  }
0x5: {  	s15 =	simm.s32 $0x5;
	s17 =	simm.s32 $0x4000;
	s18 =	simm.s32 $0xC000  }
0x6: {  	s19 =	simm.s32 $0x1;
	s20 =	simm.s32 $0x3;
	s21 =	simm.s32 $0x10080  }
0x7: {  	s22 =	simm.s32 $0x10180;
	s23 =	simm.s32 $0x2;
	s24 =	simm.s32 $0x4  }
0x8: {  	s25 =	simm.s32 $0x10280;
	s3 =	sand.u32 $0x1, s3;
	s4 =	sshll.u32 s4, $0x1  }
0x9: {  	s26 =	simm.s32 $0x0;
	[smem:$0x7FF] =	sst s5;
	s4 =	sor.u32 s3, s4  }
0xa: {  	s3 =	ssub.s32 $0x2, s3;
	_ =	strace $0x80000047;
	s7 =	smul.u32 $0x5000, s4  }
.Ltmp0:
0xb: {  	s6 =	sshll.u32 s4, $0x4;
	s31 =	sshrl.u32 s3, $0x1;
	(pc) =	sbr.rel .LBB2_1-.Ltmp0, $4  }
0xc: {  	v0 =	vlaneseq.u32;
	s4 =	smul.u32 $0x28000, s4;
	s0 =	sadd.s32 s6, s0;
	s3 =	ssub.s32 s3, s31  }
0xd: {  	v0 =	vmul.u32 $0x10, v0;
	s9 =	sor.u32 $0x800, s7;
	s6 =	sadd.s32 s1, s7;
	s7 =	sadd.s32 s2, s7  }
0xe: {  	v1 =	vimm.f32 $0.0e+00;
	s10 =	sadd.s32 $0x8000, s4;
	s11 =	sadd.s32 $0xC000, s4;
	s12 =	sadd.s32 $0x200, s0  }
0xf: {  	v2 =	vimm.s32 $0x0;
	v4 =	vimm.s32 $0x1;
	v3 =	vadd.s32 $0xFFFFFFFF, v0;
	s13 =	smax.u32 s3, $0x1;
	s8 =	sadd.s32 s1, s9;
	s9 =	sadd.s32 s2, s9  }
.LBB2_8:
0x10: {  	v5 =	vld [tilespmem:$0x10080]  }
0x11: {  	v6 =	vld [tilespmem:$0x10180]  }
0x12: {  	v7 =	vld [tilespmem:$0x10090]  }
0x13: {  	v8 =	vld [tilespmem:$0x10190]  }
0x14: {  	v9 =	vld [tilespmem:$0x100A0]  }
0x15: {  	v10 =	vld [tilespmem:$0x101A0]  }
0x16: {  	v11 =	vld [tilespmem:$0x100B0]  }
0x17: {  	v13 =	vld [tilespmem:$0x101B0]  }
0x18: {  	v14 =	vld [tilespmem:$0x100C0]  }
0x19: {  	v25 =	vld [tilespmem:$0x101C0]  }
0x1a: {  	v27 =	vld [tilespmem:$0x100D0]  }
0x1b: {  	v28 =	vld [tilespmem:$0x101D0]  }
0x1c: {  	v31 =	vld [tilespmem:$0x100E0]  }
0x1d: {  	v32 =	vld [tilespmem:$0x101E0]  }
0x1e: {  	v35 =	vld [tilespmem:$0x101F0];
	v5 =	vadd.f32 $0.0e+00, v5  }
0x1f: {  	v38 =	vld [tilespmem:$0x10200]  }
0x20: {  	v41 =	vld [tilespmem:$0x10210];
	v5 =	vadd.f32 v7, v5  }
0x21: {  	v44 =	vld [tilespmem:$0x10220]  }
0x22: {  	v47 =	vld [tilespmem:$0x10230];
	v5 =	vadd.f32 v9, v5  }
0x23: {  	v50 =	vld [tilespmem:$0x10240]  }
0x24: {  	v53 =	vld [tilespmem:$0x10250];
	v12 =	vand.u32 $0xFFFF, v6;
	v5 =	vadd.f32 v11, v5  }
0x25: {  	v56 =	vld [tilespmem:$0x10260];
	v6 =	vshrl.u32 v6, $0x10;
	v26 =	vand.u32 $0xFFFF, v10;
	v10 =	vshrl.u32 v10, $0x10  }
0x26: {  	v58 =	vld [tilespmem:$0x10270];
	v29 =	vand.u32 $0xFFFF, v13;
	v30 =	vshrl.u32 v13, $0x10;
	v5 =	vadd.f32 v14, v5  }
0x27: {  	v34 =	vld [tilespmem:$0x100F0];
	v33 =	vand.u32 $0xFFFF, v25;
	v36 =	vand.u32 $0xFFFF, v28;
	v39 =	vand.u32 $0xFFFF, v32  }
0x28: {  	v42 =	vand.u32 $0xFFFF, v35;
	v45 =	vand.u32 $0xFFFF, v38;
	v5 =	vadd.f32 v27, v5  }
0x29: {  	v37 =	vld [tilespmem:$0x10100];
	v48 =	vand.u32 $0xFFFF, v41;
	v51 =	vand.u32 $0xFFFF, v44;
	v54 =	vand.u32 $0xFFFF, v47  }
0x2a: {  	v57 =	vand.u32 $0xFFFF, v50;
	v60 =	vand.u32 $0xFFFF, v53;
	v5 =	vadd.f32 v31, v5  }
0x2b: {  	v40 =	vld [tilespmem:$0x10110];
	v61 =	vand.u32 $0xFFFF, v56;
	v62 =	vshrl.u32 v58, $0x10;
	v7 =	vand.u32 $0xFFFF, v8  }
0x2c: {  	v8 =	vshrl.u32 v8, $0x10;
	v7 =	vadd.s32 v12, v7;
	v5 =	vadd.f32 v34, v5  }
0x2d: {  	v43 =	vld [tilespmem:$0x10120];
	v6 =	vadd.s32 v6, v8;
	v8 =	vshrl.u32 v25, $0x10;
	v7 =	vadd.s32 v26, v7  }
0x2e: {  	v6 =	vadd.s32 v10, v6;
	v9 =	vshrl.u32 v28, $0x10;
	v5 =	vadd.f32 v37, v5  }
0x2f: {  	v46 =	vld [tilespmem:$0x10130];
	v10 =	vshrl.u32 v32, $0x10;
	v7 =	vadd.s32 v29, v7;
	v6 =	vadd.s32 v30, v6  }
0x30: {  	v7 =	vadd.s32 v33, v7;
	v6 =	vadd.s32 v8, v6;
	v5 =	vadd.f32 v40, v5  }
0x31: {  	v49 =	vld [tilespmem:$0x10140];
	v8 =	vshrl.u32 v35, $0x10;
	v7 =	vadd.s32 v36, v7;
	v6 =	vadd.s32 v9, v6  }
0x32: {  	v9 =	vshrl.u32 v38, $0x10;
	v7 =	vadd.s32 v39, v7;
	v5 =	vadd.f32 v43, v5  }
0x33: {  	v52 =	vld [tilespmem:$0x10150];
	v6 =	vadd.s32 v10, v6;
	v10 =	vshrl.u32 v41, $0x10;
	v7 =	vadd.s32 v42, v7  }
0x34: {  	v6 =	vadd.s32 v8, v6;
	v8 =	vshrl.u32 v44, $0x10;
	v5 =	vadd.f32 v46, v5  }
0x35: {  	v55 =	vld [tilespmem:$0x10160];
	v7 =	vadd.s32 v45, v7;
	v6 =	vadd.s32 v9, v6;
	v9 =	vshrl.u32 v47, $0x10  }
0x36: {  	v7 =	vadd.s32 v48, v7;
	v6 =	vadd.s32 v10, v6;
	v5 =	vadd.f32 v49, v5  }
0x37: {  	v59 =	vld [tilespmem:$0x10170];
	v10 =	vshrl.u32 v50, $0x10;
	v7 =	vadd.s32 v51, v7;
	v6 =	vadd.s32 v8, v6  }
0x38: {  	v8 =	vshrl.u32 v53, $0x10;
	v6 =	vadd.s32 v9, v6;
	v5 =	vadd.f32 v52, v5  }
0x39: {  	v7 =	vadd.s32 v54, v7;
	v9 =	vshrl.u32 v56, $0x10;
	v6 =	vadd.s32 v10, v6  }
0x3a: {  	v7 =	vadd.s32 v57, v7;
	v6 =	vadd.s32 v8, v6;
	v5 =	vadd.f32 v55, v5  }
0x3b: {  	v63 =	vand.u32 $0xFFFF, v58;
	v7 =	vadd.s32 v60, v7;
	v6 =	vadd.s32 v9, v6  }
0x3c: {  	v7 =	vadd.s32 v61, v7;
	v6 =	vadd.s32 v62, v6;
	v5 =	vadd.f32 v59, v5  }
0x3d: {  	v7 =	vadd.s32 v63, v7;
	v6 =	vcvt.s32.f32 v6  }
0x3e: {  	s26 =	sadd.s32 $0x1, s26;
	[tilespmem:$0x10280] =	vst v5;
	v5 =	vcvt.s32.f32 v7  }
0x3f: {  	p0 =	sne.s32 s26, s13;
	[tilespmem:$0x10290] =	vst v6  }
.Ltmp1:
0x40: {  	[tilespmem:$0x102A0] =	vst v5;
	(pc) =	sbr.rel @!p0 .LBB2_9-.Ltmp1, $4  }
0x41: {  	[hbm4b:s12+s5] =	stream.linear.scatter [tilespmem:s25], [sflag:$0x5], $0x80, $0x38;
	[tilespmem:$0x10300] =	vst v63  }
0x42: {  	_ =	swait.ge [sflag:s15], $0x80  }
0x43: {  	[sflag:s15] =	ssyncset.done $0x0  }
0x44: {  	[sflag:s15] =	ssyncadd.s32 $0xFFFFFF80  }
.LBB2_1:
0x45: {  	s0 =	rddreg [dreg:$0x2];
	s3 =	simm.s32 $0x10000  }
0x46: {  	[tilespmem:s3], [sflag:$0x5] =	stream.linear.gather [hbm4b:s0+s5], $0x80, $0x38;
	[tilespmem:$0x10300] =	vst v63  }
0x47: {  	_ =	swait.ge [sflag:s15], $0x80  }
0x48: {  	[sflag:s15] =	ssyncset.done $0x0  }
0x49: {  	[sflag:s15] =	ssyncadd.s32 $0xFFFFFF80  }
0x4a: {  	[tilespmem:$0x10080] =	vst v1  }
0x4b: {  	[tilespmem:$0x10180] =	vst v2  }
0x4c: {  	[tilespmem:$0x10090] =	vst v1  }
0x4d: {  	[tilespmem:$0x10190] =	vst v2  }
0x4e: {  	[tilespmem:$0x100A0] =	vst v1  }
0x4f: {  	[tilespmem:$0x101A0] =	vst v2  }
0x50: {  	[tilespmem:$0x100B0] =	vst v1  }
0x51: {  	[tilespmem:$0x101B0] =	vst v2  }
0x52: {  	[tilespmem:$0x100C0] =	vst v1  }
0x53: {  	[tilespmem:$0x101C0] =	vst v2  }
0x54: {  	[tilespmem:$0x100D0] =	vst v1  }
0x55: {  	[tilespmem:$0x101D0] =	vst v2  }
0x56: {  	[tilespmem:$0x100E0] =	vst v1  }
0x57: {  	[tilespmem:$0x101E0] =	vst v2  }
0x58: {  	[tilespmem:$0x100F0] =	vst v1  }
0x59: {  	[tilespmem:$0x101F0] =	vst v2  }
0x5a: {  	[tilespmem:$0x10100] =	vst v1  }
0x5b: {  	[tilespmem:$0x10200] =	vst v2  }
0x5c: {  	[tilespmem:$0x10110] =	vst v1  }
0x5d: {  	[tilespmem:$0x10210] =	vst v2  }
0x5e: {  	[tilespmem:$0x10120] =	vst v1  }
0x5f: {  	[tilespmem:$0x10220] =	vst v2  }
0x60: {  	[tilespmem:$0x10130] =	vst v1  }
0x61: {  	[tilespmem:$0x10230] =	vst v2  }
0x62: {  	[tilespmem:$0x10140] =	vst v1  }
0x63: {  	[tilespmem:$0x10240] =	vst v2  }
0x64: {  	[tilespmem:$0x10150] =	vst v1  }
0x65: {  	[tilespmem:$0x10250] =	vst v2  }
0x66: {  	[tilespmem:$0x10160] =	vst v1  }
0x67: {  	[tilespmem:$0x10260] =	vst v2  }
0x68: {  	[tilespmem:$0x10170] =	vst v1  }
0x69: {  	[tilespmem:$0x10270] =	vst v2  }
0x6a: {  	v5 =	vld [tilespmem:$0x10000];
	[tilespmem:s5], [sflag:$0x1] =	stream.linear.gather [hbm4b:s6+s5], $0x4000, $0x38  }
0x6b: {  	s31 =	simm.s32 $0x8000  }
0x6c: {  	[tilespmem:s31], [sflag:$0x3] =	stream.linear.gather [hbm4b:s7+s5], $0x4000, $0x38;
	[tilespmem:$0x10300] =	vst v63  }
0x6d: {  	_ = 	snop  }
0x6e: {  	[tilespmem:s17], [sflag:$0x2] =	stream.linear.gather [hbm4b:s8+s5], $0x4000, $0x38;
	[tilespmem:$0x10300] =	vst v63  }
0x6f: {  	s28 =	simm.s32 $0x0  }
0x70: {  	[tilespmem:s18], [sflag:$0x4] =	stream.linear.gather [hbm4b:s9+s5], $0x4000, $0x38;
	[tilespmem:$0x10300] =	vst v63  }
.LBB2_2:
0x71: {  	_ =	swait.ge [sflag:s19], $0x4000  }
0x72: {  	[sflag:s19] =	ssyncset.done $0x0  }
0x73: {  	s0 =	simm.s32 $0x0;
	[sflag:s19] =	ssyncadd.s32 $0xFFFFC000  }
0x74: {  	s3 =	sand.u32 $0x3000, s0;
	s4 =	sand.u32 $0xC00, s0;
	_ =	swait.ge [sflag:s20], $0x4000  }
0x75: {  	s0 =	sand.u32 $0x380, s0;
	s3 =	sor.u32 s4, s3;
	[sflag:s20] =	ssyncset.done $0x0  }
0x76: {  	s29 =	sor.u32 s0, s3;
	[sflag:s20] =	ssyncadd.s32 $0xFFFFC000  }
0x77: {  	v12 =	vld [tilespmem:s29+$0x10];
	_ =	sdelay $0x4  }
0x78: {  	v6 =	vmul.f32 $9.999990460e+00, v12;
	_ =	sdelay $0x1  }
0x79: {  	v11 =	vld [tilespmem:s29+$0x0];
	v6 =	vadd.f32 $9.999989740e-06, v6  }
0x7a: {  	v8 =	vld [tilespmem:s29+$0x70]  }
0x7b: {  	v6 =	vadd.f32 $1.258291200e+07, v6  }
0x7c: {  	v9 =	vld [tilespmem:s29+$0x20]  }
0x7d: {  	v7 =	vand.u32 $0xF, v6  }
0x7e: {  	v10 =	vmul.f32 $9.999990460e+00, v11;
	v6 =	vperm.xlane v5, v7  }
0x7f: {  	v13 =	vld [tilespmem:s29+$0x8010];
	v14 =	vmul.f32 $9.999990460e+00, v8  }
0x80: {  	v15 =	vadd.f32 $9.999989740e-06, v10;
	vm0 =	vle.f32 v12, v6  }
0x81: {  	v16 =	vmul.f32 $9.999990460e+00, v9;
	v14 =	vadd.f32 $9.999989740e-06, v14;
	v6 =	vld [tilespmem:s29+$0x50];
	v10 =	vsel vm0, v3, v0  }
0x82: {  	v15 =	vadd.f32 $1.258291200e+07, v15;
	v17 =	vadd.s32 v10, v7;
	v7 =	vld [tilespmem:s29+$0x60]  }
0x83: {  	v16 =	vadd.f32 $9.999989740e-06, v16;
	v19 =	vadd.f32 $1.258291200e+07, v14;
	v10 =	vld [tilespmem:s29+$0x40]  }
0x84: {  	vm14 =	vgt.f32 v13, $5.000000000e-01;
	v13 =	vld [tilespmem:s29+$0x30];
	v18 =	vand.u32 $0xF, v15  }
0x85: {  	v14 =	vld [tilespmem:s29+$0x8040];
	v24 =	vadd.f32 $1.258291200e+07, v16;
	v22 =	vand.u32 $0xF, v19;
	v20 =	vperm.xlane v5, v18  }
0x86: {  	v15 =	vld [tilespmem:s29+$0x8030];
	v27 =	vperm.xlane v5, v22;
	v21 =	vmul.f32 $9.999990460e+00, v6  }
0x87: {  	v16 =	vld [tilespmem:s29+$0x8020];
	vm1 =	vle.f32 v11, v20;
	v20 =	vand.u32 $0xF, v24;
	v19 =	vmul.f32 $9.999990460e+00, v7  }
0x88: {  	vm15 =	vle.f32 v8, v27;
	[tilespmem:v17+s21+$0x0] =	vst.idx.add.f32.msk $0xffff, v12;
	v25 =	vmul.f32 $9.999990460e+00, v10;
	v28 =	vadd.f32 $9.999989740e-06, v21  }
0x89: {  	s30 =	simm.s32 $0x0;
	v24 =	vsel vm14, $0x10001, v4;
	v23 =	vsel vm1, v3, v0;
	v12 =	vld [tilespmem:s29+$0x8060];
	v26 =	vadd.f32 $9.999989740e-06, v19  }
0x8a: {  	s31 =	simm.s32 $0x20;
	s0 =	simm.s32 $0x400;
	s3 =	simm.s32 $0x80;
	v27 =	vsel vm15, v3, v0;
	v21 =	vadd.f32 $9.999989740e-06, v25;
	v19 =	vld [tilespmem:s29+$0x8050];
	v25 =	vadd.f32 $1.258291200e+07, v28  }
.LBB2_3:
0x8b: {  	s4 =	sand.u32 $0x3000, s3;
	s14 =	sand.u32 $0xC00, s0;
	s30 =	sadd.s32 $0x8, s30;
	[tilespmem:v17+s22+$0x0] =	vst.idx.add.s32.msk $0xffff, v24;
	vm0 =	vgt.f32 v15, $5.000000000e-01;
	v15 =	vadd.f32 $1.258291200e+07, v26;
	v22 =	vadd.s32 v27, v22  }
0x8c: {  	v17 =	vadd.s32 v23, v18;
	v18 =	vperm.xlane v5, v20;
	s4 =	sor.u32 s14, s4;
	s14 =	sand.u32 $0x380, s31;
	p0 =	slt.u32 s30, $0x3F8;
	v23 =	vand.u32 $0xF, v25;
	v24 =	vld [tilespmem:s29+$0x8070]  }
0x8d: {  	vm1 =	vgt.f32 v14, $5.000000000e-01;
	v25 =	vld [tilespmem:s29+$0x8000];
	s29 =	sor.u32 s14, s4;
	v14 =	vperm.xlane v5, v23;
	v15 =	vand.u32 $0xF, v15  }
0x8e: {  	vm2 =	vle.f32 v9, v18;
	v26 =	vld [tilespmem:s29+$0x8010];
	v18 =	vmul.f32 $9.999990460e+00, v13;
	v27 =	vperm.xlane v5, v15  }
0x8f: {  	v29 =	vsel vm2, v3, v0;
	v28 =	vld [tilespmem:s29+$0x70];
	vm4 =	vle.f32 v6, v14;
	vm2 =	vgt.f32 v19, $5.000000000e-01  }
0x90: {  	v14 =	vadd.s32 v29, v20;
	v19 =	vld [tilespmem:s29+$0x10];
	v18 =	vadd.f32 $9.999989740e-06, v18;
	vm5 =	vle.f32 v7, v27  }
0x91: {  	vm3 =	vgt.f32 v16, $5.000000000e-01;
	v16 =	vadd.f32 $1.258291200e+07, v21;
	v20 =	vld [tilespmem:s29+$0x0];
	v21 =	vsel vm5, v3, v0  }
0x92: {  	[tilespmem:v17+s21+$0x0] =	vst.idx.add.f32.msk $0xffff, v11;
	vm5 =	vgt.f32 v25, $5.000000000e-01;
	v11 =	vadd.f32 $1.258291200e+07, v18;
	v15 =	vadd.s32 v21, v15  }
0x93: {  	v16 =	vand.u32 $0xF, v16;
	v21 =	vsel vm4, v3, v0;
	v18 =	vsel vm5, $0x10001, v4;
	[tilespmem:v22+s21+$0x0] =	vst.idx.add.f32.msk $0xffff, v8  }
0x94: {  	v27 =	vperm.xlane v5, v16;
	[tilespmem:v17+s22+$0x0] =	vst.idx.add.s32.msk $0xffff, v18;
	v17 =	vand.u32 $0xF, v11;
	v18 =	vadd.s32 v21, v23  }
0x95: {  	v8 =	vmov v28;
	v21 =	vld [tilespmem:s29+$0x50];
	v23 =	vperm.xlane v5, v17  }
0x96: {  	vm4 =	vle.f32 v10, v27;
	v25 =	vmul.f32 $9.999990460e+00, v19;
	[tilespmem:v14+s21+$0x0] =	vst.idx.add.f32.msk $0xffff, v9;
	v11 =	vmov v20  }
0x97: {  	v9 =	vsel vm4, v3, v0;
	vm5 =	vle.f32 v13, v23;
	[tilespmem:v15+s21+$0x0] =	vst.idx.add.f32.msk $0xffff, v7  }
0x98: {  	v20 =	vadd.f32 $9.999989740e-06, v25;
	v16 =	vadd.s32 v9, v16;
	v7 =	vld [tilespmem:s29+$0x60];
	v23 =	vsel vm5, v3, v0  }
0x99: {  	v9 =	vld [tilespmem:s29+$0x20];
	v17 =	vadd.s32 v23, v17  }
0x9a: {  	v20 =	vadd.f32 $1.258291200e+07, v20;
	v23 =	vsel vm3, $0x10001, v4;
	[tilespmem:v18+s21+$0x0] =	vst.idx.add.f32.msk $0xffff, v6;
	v6 =	vmov v21  }
0x9b: {  	v21 =	vmul.f32 $9.999990460e+00, v8;
	[tilespmem:v14+s22+$0x0] =	vst.idx.add.s32.msk $0xffff, v23;
	v14 =	vsel vm2, $0x10001, v4  }
0x9c: {  	v23 =	vmul.f32 $9.999990460e+00, v11;
	v20 =	vand.u32 $0xF, v20;
	[tilespmem:v18+s22+$0x0] =	vst.idx.add.s32.msk $0xffff, v14  }
0x9d: {  	vm2 =	vgt.f32 v12, $5.000000000e-01;
	v14 =	vperm.xlane v5, v20;
	[tilespmem:v16+s21+$0x0] =	vst.idx.add.f32.msk $0xffff, v10  }
0x9e: {  	v12 =	vadd.f32 $9.999989740e-06, v21;
	v10 =	vsel vm2, $0x10001, v4;
	[tilespmem:v17+s21+$0x0] =	vst.idx.add.f32.msk $0xffff, v13;
	v13 =	vsel vm1, $0x10001, v4  }
0x9f: {  	v18 =	vadd.f32 $9.999989740e-06, v23;
	vm1 =	vle.f32 v19, v14;
	v14 =	vsel vm0, $0x10001, v4;
	[tilespmem:v15+s22+$0x0] =	vst.idx.add.s32.msk $0xffff, v10  }
0xa0: {  	vm0 =	vgt.f32 v24, $5.000000000e-01;
	v10 =	vsel vm1, v3, v0;
	v15 =	vmul.f32 $9.999990460e+00, v9;
	[tilespmem:v17+s22+$0x0] =	vst.idx.add.s32.msk $0xffff, v14  }
0xa1: {  	v14 =	vadd.f32 $1.258291200e+07, v18;
	v17 =	vadd.s32 v10, v20;
	v20 =	vsel vm0, $0x10001, v4;
	v10 =	vld [tilespmem:s29+$0x40]  }
0xa2: {  	v15 =	vadd.f32 $9.999989740e-06, v15;
	[tilespmem:v16+s22+$0x0] =	vst.idx.add.s32.msk $0xffff, v13  }
0xa3: {  	v12 =	vadd.f32 $1.258291200e+07, v12;
	v18 =	vand.u32 $0xF, v14;
	[tilespmem:v22+s22+$0x0] =	vst.idx.add.s32.msk $0xffff, v20  }
0xa4: {  	v21 =	vmul.f32 $9.999990460e+00, v6;
	v13 =	vperm.xlane v5, v18;
	v14 =	vld [tilespmem:s29+$0x8040]  }
0xa5: {  	v20 =	vadd.f32 $1.258291200e+07, v15;
	v15 =	vld [tilespmem:s29+$0x8030]  }
.Ltmp2:
0xa6: {  	vm0 =	vgt.f32 v26, $5.000000000e-01;
	v22 =	vand.u32 $0xF, v12;
	[tilespmem:v17+s21+$0x0] =	vst.idx.add.f32.msk $0xffff, v19;
	v19 =	vmul.f32 $9.999990460e+00, v10;
	(pc) =	sbr.rel @p0 .LBB2_3-.Ltmp2, $4  }
0xa7: {  	v24 =	vmul.f32 $9.999990460e+00, v7;
	v25 =	vperm.xlane v5, v22;
	vm1 =	vle.f32 v11, v13;
	v12 =	vld [tilespmem:s29+$0x8060]  }
0xa8: {  	v27 =	vadd.f32 $9.999989740e-06, v21;
	v20 =	vand.u32 $0xF, v20;
	v23 =	vsel vm1, v3, v0;
	v16 =	vld [tilespmem:s29+$0x8020]  }
0xa9: {  	v26 =	vadd.f32 $9.999989740e-06, v24;
	vm1 =	vle.f32 v8, v25;
	v21 =	vadd.f32 $9.999989740e-06, v19;
	v13 =	vld [tilespmem:s29+$0x30]  }
0xaa: {  	s0 =	sadd.s32 $0x400, s0;
	s3 =	sadd.s32 $0x80, s3;
	s31 =	sadd.s32 $0x20, s31;
	v24 =	vsel vm0, $0x10001, v4;
	v25 =	vadd.f32 $1.258291200e+07, v27;
	v27 =	vsel vm1, v3, v0;
	v19 =	vld [tilespmem:s29+$0x8050]  }
0xab: {  	v26 =	vadd.f32 $1.258291200e+07, v26;
	v22 =	vadd.s32 v27, v22;
	v27 =	vperm.xlane v5, v20  }
0xac: {  	v18 =	vadd.s32 v23, v18;
	v23 =	vand.u32 $0xF, v25  }
0xad: {  	v26 =	vand.u32 $0xF, v26;
	vm0 =	vle.f32 v9, v27;
	v27 =	vperm.xlane v5, v23  }
0xae: {  	v29 =	vld [tilespmem:s29+$0x8000];
	v28 =	vmul.f32 $9.999990460e+00, v13;
	v25 =	vperm.xlane v5, v26  }
0xaf: {  	v21 =	vadd.f32 $1.258291200e+07, v21;
	vm14 =	vle.f32 v6, v27  }
0xb0: {  	[tilespmem:v17+s22+$0x0] =	vst.idx.add.s32.msk $0xffff, v24;
	v28 =	vadd.f32 $9.999989740e-06, v28;
	vm1 =	vle.f32 v7, v25;
	v25 =	vsel vm0, v3, v0  }
0xb1: {  	v21 =	vand.u32 $0xF, v21;
	[tilespmem:v18+s21+$0x0] =	vst.idx.add.f32.msk $0xffff, v11;
	v11 =	vsel vm14, v3, v0;
	v17 =	vadd.s32 v25, v20  }
0xb2: {  	v27 =	vsel vm1, v3, v0;
	v11 =	vadd.s32 v11, v23;
	v28 =	vadd.f32 $1.258291200e+07, v28  }
0xb3: {  	vm15 =	vgt.f32 v29, $5.000000000e-01;
	v25 =	vperm.xlane v5, v21;
	v20 =	vadd.s32 v27, v26;
	v26 =	vld [tilespmem:s29+$0x8070]  }
0xb4: {  	v27 =	vsel vm15, $0x10001, v4;
	[tilespmem:v22+s21+$0x0] =	vst.idx.add.f32.msk $0xffff, v8;
	v24 =	vand.u32 $0xF, v28  }
0xb5: {  	vm4 =	vle.f32 v10, v25;
	[tilespmem:v18+s22+$0x0] =	vst.idx.add.s32.msk $0xffff, v27;
	v23 =	vperm.xlane v5, v24  }
0xb6: {  	v8 =	vsel vm4, v3, v0;
	[tilespmem:v17+s21+$0x0] =	vst.idx.add.f32.msk $0xffff, v9  }
0xb7: {  	vm7 =	vgt.f32 v19, $5.000000000e-01;
	v8 =	vadd.s32 v8, v21;
	[tilespmem:v11+s21+$0x0] =	vst.idx.add.f32.msk $0xffff, v6;
	vm5 =	vle.f32 v13, v23  }
0xb8: {  	vm8 =	vgt.f32 v12, $5.000000000e-01;
	v6 =	vsel vm7, $0x10001, v4;
	[tilespmem:v20+s21+$0x0] =	vst.idx.add.f32.msk $0xffff, v7;
	v9 =	vsel vm5, v3, v0  }
0xb9: {  	vm6 =	vgt.f32 v16, $5.000000000e-01;
	[tilespmem:v11+s22+$0x0] =	vst.idx.add.s32.msk $0xffff, v6;
	v6 =	vsel vm8, $0x10001, v4;
	v7 =	vadd.s32 v9, v24  }
0xba: {  	[tilespmem:v20+s22+$0x0] =	vst.idx.add.s32.msk $0xffff, v6;
	v9 =	vsel vm6, $0x10001, v4  }
0xbb: {  	vm10 =	vgt.f32 v14, $5.000000000e-01;
	[tilespmem:v17+s22+$0x0] =	vst.idx.add.s32.msk $0xffff, v9  }
0xbc: {  	v6 =	vsel vm10, $0x10001, v4;
	[tilespmem:v8+s21+$0x0] =	vst.idx.add.f32.msk $0xffff, v10  }
0xbd: {  	vm9 =	vgt.f32 v15, $5.000000000e-01;
	p0 =	seq.s32 s28, $0x4;
	s29 =	sshll.u32 s28, $0xF;
	[tilespmem:v8+s22+$0x0] =	vst.idx.add.s32.msk $0xffff, v6  }
0xbe: {  	s0 =	sadd.s32 @!p0 s29, s10;
	vm11 =	vgt.f32 v26, $5.000000000e-01;
	v9 =	vsel vm9, $0x10001, v4;
	[tilespmem:v7+s21+$0x0] =	vst.idx.add.f32.msk $0xffff, v13  }
0xbf: {  	s0 =	sshrl.u32 @!p0 s0, $0x3;
	[tilespmem:v7+s22+$0x0] =	vst.idx.add.s32.msk $0xffff, v9;
	v7 =	vsel vm11, $0x10001, v4  }
0xc0: {  	s4 =	simm.s32 @!p0 $0x0;
	s3 =	sadd.s32 @!p0 s1, s0;
	[tilespmem:v22+s22+$0x0] =	vst.idx.add.s32.msk $0xffff, v7  }
0xc1: {  	[tilespmem:s4], [sflag:$0x1] =	stream.linear.gather @!p0 [hbm4b:s3+s4], $0x4000, $0x38;
	[tilespmem:$0x10300] =	vst v63  }
0xc2: {  	s0 =	sadd.s32 @!p0 s2, s0;
	s3 =	simm.s32 @!p0 $0x8000  }
0xc3: {  	[tilespmem:s3], [sflag:$0x3] =	stream.linear.gather @!p0 [hbm4b:s0+s4], $0x4000, $0x38;
	[tilespmem:$0x10300] =	vst v63  }
0xc4: {  	_ =	swait.ge [sflag:s23], $0x4000  }
0xc5: {  	[sflag:s23] =	ssyncset.done $0x0  }
0xc6: {  	s0 =	simm.s32 $0x0;
	[sflag:s23] =	ssyncadd.s32 $0xFFFFC000  }
0xc7: {  	s14 =	sand.u32 $0x3000, s0;
	s16 =	sand.u32 $0xC00, s0;
	_ =	swait.ge [sflag:s24], $0x4000  }
0xc8: {  	s0 =	sand.u32 $0x380, s0;
	s3 =	sor.u32 s16, s14;
	[sflag:s24] =	ssyncset.done $0x0  }
0xc9: {  	s30 =	sor.u32 s0, s3;
	[sflag:s24] =	ssyncadd.s32 $0xFFFFC000  }
0xca: {  	v12 =	vld [tilespmem:s30+$0x4010];
	_ =	sdelay $0x4  }
0xcb: {  	v6 =	vmul.f32 $9.999990460e+00, v12;
	_ =	sdelay $0x1  }
0xcc: {  	v11 =	vld [tilespmem:s30+$0x4000];
	v6 =	vadd.f32 $9.999989740e-06, v6  }
0xcd: {  	v8 =	vld [tilespmem:s30+$0x4070]  }
0xce: {  	v6 =	vadd.f32 $1.258291200e+07, v6  }
0xcf: {  	v9 =	vld [tilespmem:s30+$0x4020]  }
0xd0: {  	v7 =	vand.u32 $0xF, v6  }
0xd1: {  	v10 =	vmul.f32 $9.999990460e+00, v11;
	v6 =	vperm.xlane v5, v7  }
0xd2: {  	v13 =	vld [tilespmem:s30+$0xC010];
	v14 =	vmul.f32 $9.999990460e+00, v8  }
0xd3: {  	v15 =	vadd.f32 $9.999989740e-06, v10;
	vm12 =	vle.f32 v12, v6  }
0xd4: {  	v16 =	vmul.f32 $9.999990460e+00, v9;
	v14 =	vadd.f32 $9.999989740e-06, v14;
	v6 =	vld [tilespmem:s30+$0x4050];
	v10 =	vsel vm12, v3, v0  }
0xd5: {  	v15 =	vadd.f32 $1.258291200e+07, v15;
	v17 =	vadd.s32 v10, v7;
	v7 =	vld [tilespmem:s30+$0x4060]  }
0xd6: {  	v16 =	vadd.f32 $9.999989740e-06, v16;
	v19 =	vadd.f32 $1.258291200e+07, v14;
	v10 =	vld [tilespmem:s30+$0x4040]  }
0xd7: {  	vm13 =	vgt.f32 v13, $5.000000000e-01;
	v13 =	vld [tilespmem:s30+$0x4030];
	v18 =	vand.u32 $0xF, v15  }
0xd8: {  	v14 =	vld [tilespmem:s30+$0xC040];
	v24 =	vadd.f32 $1.258291200e+07, v16;
	v22 =	vand.u32 $0xF, v19;
	v20 =	vperm.xlane v5, v18  }
0xd9: {  	v15 =	vld [tilespmem:s30+$0xC030];
	v27 =	vperm.xlane v5, v22;
	v21 =	vmul.f32 $9.999990460e+00, v6  }
0xda: {  	v16 =	vld [tilespmem:s30+$0xC020];
	vm14 =	vle.f32 v11, v20;
	v20 =	vand.u32 $0xF, v24;
	v19 =	vmul.f32 $9.999990460e+00, v7  }
0xdb: {  	vm15 =	vle.f32 v8, v27;
	[tilespmem:v17+s21+$0x0] =	vst.idx.add.f32.msk $0xffff, v12;
	v25 =	vmul.f32 $9.999990460e+00, v10;
	v28 =	vadd.f32 $9.999989740e-06, v21  }
0xdc: {  	s31 =	simm.s32 $0x0;
	v24 =	vsel vm13, $0x10001, v4;
	v23 =	vsel vm14, v3, v0;
	v12 =	vld [tilespmem:s30+$0xC060];
	v26 =	vadd.f32 $9.999989740e-06, v19  }
0xdd: {  	s4 =	simm.s32 $0x80;
	s0 =	simm.s32 $0x20;
	s3 =	simm.s32 $0x400;
	v27 =	vsel vm15, v3, v0;
	v21 =	vadd.f32 $9.999989740e-06, v25;
	v19 =	vld [tilespmem:s30+$0xC050];
	v25 =	vadd.f32 $1.258291200e+07, v28  }
.LBB2_5:
0xde: {  	s14 =	sand.u32 $0x3000, s4;
	s16 =	sand.u32 $0xC00, s3;
	s31 =	sadd.s32 $0x8, s31;
	[tilespmem:v17+s22+$0x0] =	vst.idx.add.s32.msk $0xffff, v24;
	vm0 =	vgt.f32 v15, $5.000000000e-01;
	v15 =	vadd.f32 $1.258291200e+07, v26;
	v22 =	vadd.s32 v27, v22  }
0xdf: {  	v17 =	vadd.s32 v23, v18;
	v18 =	vperm.xlane v5, v20;
	s14 =	sor.u32 s16, s14;
	s16 =	sand.u32 $0x380, s0;
	p1 =	slt.u32 s31, $0x3F8;
	v23 =	vand.u32 $0xF, v25;
	v24 =	vld [tilespmem:s30+$0xC070]  }
0xe0: {  	vm1 =	vgt.f32 v14, $5.000000000e-01;
	v25 =	vld [tilespmem:s30+$0xC000];
	s30 =	sor.u32 s16, s14;
	v14 =	vperm.xlane v5, v23;
	v15 =	vand.u32 $0xF, v15  }
0xe1: {  	vm2 =	vle.f32 v9, v18;
	v26 =	vld [tilespmem:s30+$0xC010];
	v18 =	vmul.f32 $9.999990460e+00, v13;
	v27 =	vperm.xlane v5, v15  }
0xe2: {  	v29 =	vsel vm2, v3, v0;
	v28 =	vld [tilespmem:s30+$0x4070];
	vm4 =	vle.f32 v6, v14;
	vm2 =	vgt.f32 v19, $5.000000000e-01  }
0xe3: {  	v14 =	vadd.s32 v29, v20;
	v19 =	vld [tilespmem:s30+$0x4010];
	v18 =	vadd.f32 $9.999989740e-06, v18;
	vm5 =	vle.f32 v7, v27  }
0xe4: {  	vm3 =	vgt.f32 v16, $5.000000000e-01;
	v16 =	vadd.f32 $1.258291200e+07, v21;
	v20 =	vld [tilespmem:s30+$0x4000];
	v21 =	vsel vm5, v3, v0  }
0xe5: {  	[tilespmem:v17+s21+$0x0] =	vst.idx.add.f32.msk $0xffff, v11;
	vm5 =	vgt.f32 v25, $5.000000000e-01;
	v11 =	vadd.f32 $1.258291200e+07, v18;
	v15 =	vadd.s32 v21, v15  }
0xe6: {  	v16 =	vand.u32 $0xF, v16;
	v21 =	vsel vm4, v3, v0;
	v18 =	vsel vm5, $0x10001, v4;
	[tilespmem:v22+s21+$0x0] =	vst.idx.add.f32.msk $0xffff, v8  }
0xe7: {  	v27 =	vperm.xlane v5, v16;
	[tilespmem:v17+s22+$0x0] =	vst.idx.add.s32.msk $0xffff, v18;
	v17 =	vand.u32 $0xF, v11;
	v18 =	vadd.s32 v21, v23  }
0xe8: {  	v8 =	vmov v28;
	v21 =	vld [tilespmem:s30+$0x4050];
	v23 =	vperm.xlane v5, v17  }
0xe9: {  	vm4 =	vle.f32 v10, v27;
	v25 =	vmul.f32 $9.999990460e+00, v19;
	[tilespmem:v14+s21+$0x0] =	vst.idx.add.f32.msk $0xffff, v9;
	v11 =	vmov v20  }
0xea: {  	v9 =	vsel vm4, v3, v0;
	vm5 =	vle.f32 v13, v23;
	[tilespmem:v15+s21+$0x0] =	vst.idx.add.f32.msk $0xffff, v7  }
0xeb: {  	v20 =	vadd.f32 $9.999989740e-06, v25;
	v16 =	vadd.s32 v9, v16;
	v7 =	vld [tilespmem:s30+$0x4060];
	v23 =	vsel vm5, v3, v0  }
0xec: {  	v9 =	vld [tilespmem:s30+$0x4020];
	v17 =	vadd.s32 v23, v17  }
0xed: {  	v20 =	vadd.f32 $1.258291200e+07, v20;
	v23 =	vsel vm3, $0x10001, v4;
	[tilespmem:v18+s21+$0x0] =	vst.idx.add.f32.msk $0xffff, v6;
	v6 =	vmov v21  }
0xee: {  	v21 =	vmul.f32 $9.999990460e+00, v8;
	[tilespmem:v14+s22+$0x0] =	vst.idx.add.s32.msk $0xffff, v23;
	v14 =	vsel vm2, $0x10001, v4  }
0xef: {  	v23 =	vmul.f32 $9.999990460e+00, v11;
	v20 =	vand.u32 $0xF, v20;
	[tilespmem:v18+s22+$0x0] =	vst.idx.add.s32.msk $0xffff, v14  }
0xf0: {  	vm2 =	vgt.f32 v12, $5.000000000e-01;
	v14 =	vperm.xlane v5, v20;
	[tilespmem:v16+s21+$0x0] =	vst.idx.add.f32.msk $0xffff, v10  }
0xf1: {  	v12 =	vadd.f32 $9.999989740e-06, v21;
	v10 =	vsel vm2, $0x10001, v4;
	[tilespmem:v17+s21+$0x0] =	vst.idx.add.f32.msk $0xffff, v13;
	v13 =	vsel vm1, $0x10001, v4  }
0xf2: {  	v18 =	vadd.f32 $9.999989740e-06, v23;
	vm1 =	vle.f32 v19, v14;
	v14 =	vsel vm0, $0x10001, v4;
	[tilespmem:v15+s22+$0x0] =	vst.idx.add.s32.msk $0xffff, v10  }
0xf3: {  	vm0 =	vgt.f32 v24, $5.000000000e-01;
	v10 =	vsel vm1, v3, v0;
	v15 =	vmul.f32 $9.999990460e+00, v9;
	[tilespmem:v17+s22+$0x0] =	vst.idx.add.s32.msk $0xffff, v14  }
0xf4: {  	v14 =	vadd.f32 $1.258291200e+07, v18;
	v17 =	vadd.s32 v10, v20;
	v20 =	vsel vm0, $0x10001, v4;
	v10 =	vld [tilespmem:s30+$0x4040]  }
0xf5: {  	v15 =	vadd.f32 $9.999989740e-06, v15;
	[tilespmem:v16+s22+$0x0] =	vst.idx.add.s32.msk $0xffff, v13  }
0xf6: {  	v12 =	vadd.f32 $1.258291200e+07, v12;
	v18 =	vand.u32 $0xF, v14;
	[tilespmem:v22+s22+$0x0] =	vst.idx.add.s32.msk $0xffff, v20  }
0xf7: {  	v21 =	vmul.f32 $9.999990460e+00, v6;
	v13 =	vperm.xlane v5, v18;
	v14 =	vld [tilespmem:s30+$0xC040]  }
0xf8: {  	v20 =	vadd.f32 $1.258291200e+07, v15;
	v15 =	vld [tilespmem:s30+$0xC030]  }
.Ltmp3:
0xf9: {  	vm0 =	vgt.f32 v26, $5.000000000e-01;
	v22 =	vand.u32 $0xF, v12;
	[tilespmem:v17+s21+$0x0] =	vst.idx.add.f32.msk $0xffff, v19;
	v19 =	vmul.f32 $9.999990460e+00, v10;
	(pc) =	sbr.rel @p1 .LBB2_5-.Ltmp3, $4  }
0xfa: {  	v24 =	vmul.f32 $9.999990460e+00, v7;
	v25 =	vperm.xlane v5, v22;
	vm1 =	vle.f32 v11, v13;
	v12 =	vld [tilespmem:s30+$0xC060]  }
0xfb: {  	v27 =	vadd.f32 $9.999989740e-06, v21;
	v20 =	vand.u32 $0xF, v20;
	v23 =	vsel vm1, v3, v0;
	v16 =	vld [tilespmem:s30+$0xC020]  }
0xfc: {  	v26 =	vadd.f32 $9.999989740e-06, v24;
	vm1 =	vle.f32 v8, v25;
	v21 =	vadd.f32 $9.999989740e-06, v19;
	v13 =	vld [tilespmem:s30+$0x4030]  }
0xfd: {  	s3 =	sadd.s32 $0x400, s3;
	s4 =	sadd.s32 $0x80, s4;
	s0 =	sadd.s32 $0x20, s0;
	v24 =	vsel vm0, $0x10001, v4;
	v25 =	vadd.f32 $1.258291200e+07, v27;
	v27 =	vsel vm1, v3, v0;
	v19 =	vld [tilespmem:s30+$0xC050]  }
0xfe: {  	_ = 	snop  }
0xff: {  	v26 =	vadd.f32 $1.258291200e+07, v26;
	v22 =	vadd.s32 v27, v22;
	v46 =	vperm.xlane v5, v20  }
0x100: {  	v18 =	vadd.s32 v23, v18;
	v29 =	vld [tilespmem:s30+$0xC000];
	v21 =	vadd.f32 $1.258291200e+07, v21;
	v47 =	vand.u32 $0xF, v25  }
0x101: {  	v26 =	vand.u32 $0xF, v26;
	vm0 =	vle.f32 v9, v46;
	v28 =	vmul.f32 $9.999990460e+00, v13  }
0x102: {  	v49 =	vperm.xlane v5, v47;
	v21 =	vand.u32 $0xF, v21;
	v48 =	vperm.xlane v5, v26  }
0x103: {  	[tilespmem:v17+s22+$0x0] =	vst.idx.add.s32.msk $0xffff, v24;
	v50 =	vsel vm0, v3, v0;
	v56 =	vperm.xlane v5, v21;
	v28 =	vadd.f32 $9.999989740e-06, v28  }
0x104: {  	vm6 =	vle.f32 v6, v49;
	v52 =	vadd.s32 v50, v20;
	vm1 =	vle.f32 v7, v48  }
0x105: {  	[tilespmem:v18+s21+$0x0] =	vst.idx.add.f32.msk $0xffff, v11;
	v54 =	vsel vm6, v3, v0;
	vm7 =	vgt.f32 v29, $5.000000000e-01;
	v28 =	vadd.f32 $1.258291200e+07, v28  }
0x106: {  	v57 =	vld [tilespmem:s30+$0xC070];
	vm8 =	vle.f32 v10, v56;
	v51 =	vsel vm1, v3, v0;
	v11 =	vadd.s32 v54, v47  }
0x107: {  	[tilespmem:v22+s21+$0x0] =	vst.idx.add.f32.msk $0xffff, v8;
	v59 =	vsel vm7, $0x10001, v4;
	v53 =	vadd.s32 v51, v26;
	v55 =	vand.u32 $0xF, v28  }
0x108: {  	vm10 =	vgt.f32 v16, $5.000000000e-01;
	v60 =	vsel vm8, v3, v0;
	[tilespmem:v18+s22+$0x0] =	vst.idx.add.s32.msk $0xffff, v59;
	v58 =	vperm.xlane v5, v55  }
0x109: {  	v62 =	vsel vm10, $0x10001, v4;
	v8 =	vadd.s32 v60, v21;
	[tilespmem:v52+s21+$0x0] =	vst.idx.add.f32.msk $0xffff, v9  }
0x10a: {  	[tilespmem:v52+s22+$0x0] =	vst.idx.add.s32.msk $0xffff, v62;
	vm9 =	vle.f32 v13, v58  }
0x10b: {  	vm11 =	vgt.f32 v19, $5.000000000e-01;
	[tilespmem:v11+s21+$0x0] =	vst.idx.add.f32.msk $0xffff, v6;
	v61 =	vsel vm9, v3, v0  }
0x10c: {  	v6 =	vsel vm11, $0x10001, v4;
	[tilespmem:v53+s21+$0x0] =	vst.idx.add.f32.msk $0xffff, v7;
	v7 =	vadd.s32 v61, v55  }
0x10d: {  	vm12 =	vgt.f32 v12, $5.000000000e-01;
	[tilespmem:v11+s22+$0x0] =	vst.idx.add.s32.msk $0xffff, v6  }
0x10e: {  	vm14 =	vgt.f32 v14, $5.000000000e-01;
	[tilespmem:v8+s21+$0x0] =	vst.idx.add.f32.msk $0xffff, v10;
	v6 =	vsel vm12, $0x10001, v4  }
.Ltmp4:
0x10f: {  	[tilespmem:v53+s22+$0x0] =	vst.idx.add.s32.msk $0xffff, v6;
	v6 =	vsel vm14, $0x10001, v4;
	(pc) =	sbr.rel @p0 .LBB2_8-.Ltmp4, $4  }
0x110: {  	vm13 =	vgt.f32 v15, $5.000000000e-01;
	[tilespmem:v8+s22+$0x0] =	vst.idx.add.s32.msk $0xffff, v6  }
0x111: {  	v63 =	vsel vm13, $0x10001, v4;
	vm15 =	vgt.f32 v57, $5.000000000e-01;
	[tilespmem:v7+s21+$0x0] =	vst.idx.add.f32.msk $0xffff, v13  }
0x112: {  	[tilespmem:v7+s22+$0x0] =	vst.idx.add.s32.msk $0xffff, v63;
	v7 =	vsel vm15, $0x10001, v4  }
0x113: {  	[tilespmem:v22+s22+$0x0] =	vst.idx.add.s32.msk $0xffff, v7  }
0x114: {  	s0 =	sadd.s32 s29, s11  }
.Ltmp5:
0x115: {  	s0 =	sshrl.u32 s0, $0x3;
	(pc) =	sbr.rel .LBB2_2-.Ltmp5, $4  }
0x116: {  	s3 =	sadd.s32 s1, s0  }
0x117: {  	[tilespmem:s17], [sflag:$0x2] =	stream.linear.gather [hbm4b:s3+s5], $0x4000, $0x38;
	[tilespmem:$0x10300] =	vst v63  }
0x118: {  	s28 =	sadd.s32 $0x1, s28;
	s0 =	sadd.s32 s2, s0  }
0x119: {  	[tilespmem:s18], [sflag:$0x4] =	stream.linear.gather [hbm4b:s0+s5], $0x4000, $0x38;
	[tilespmem:$0x10300] =	vst v63  }
.LBB2_9:
0x11a: {  	_ =	sfence.sel $0x180000  }
0x11b: {  	[bflag:$0x0] =	sbarrier.arrive $0xFFFF  }
0x11c: {  	_ =	strace $0x90000047  }
0x11d: {  	s0 =	stileid.u32;
	[bflag:$0x2] =	sbarrier.arrive $0xFFFF  }
0x11e: {  	p0 =	sne.s32 s0, $0x0;
	s0 =	rddreg [dreg:$0x4]  }
0x11f: {  	s0 =	sadd.s32 @!p0 $0x100000, s0  }
0x120: {  	[sflag:s0] =	ssyncadd.tile.s32 @!p0 $0x1;
	_ =	shalt  }
.Lfunc_end2:
_tile_overlayer_lowered:
.L_overlay_start_2:
0x121: {  	(tag) =	ssettag $0x2  }
0x122: {  	s0 =	rddreg [dreg:$0x0];
	s2 =	stileid.u32  }
0x123: {  	s1 =	rddreg [dreg:$0x1];
	p0 =	sne.s32 s2, $0x0  }
0x124: {  	s3 =	rddreg [dreg:$0x2];
	[bflag:$0x3] =	sbarrier.arrive $0xFFFF;
	s2 =	simm.s32 @!p0 $0x1C05  }
0x125: {  	[timem:s3], [sflag:s2] =	dma.local @!p0 [hbm:s0], s1  }
0x126: {  	s0 =	simm.s32 @!p0 $0x5  }
0x127: {  	_ =	swait.ge @!p0 [sflag:s0], s1  }
0x128: {  	s1 =	ssub.s32 @!p0 $0x0, s1;
	[sflag:s0] =	ssyncset.done @!p0 $0x0  }
0x129: {  	[sflag:s0] =	ssyncadd.s32 @!p0 s1  }
0x12a: {  	[bflag:$0x3] =	sbarrier.arrive $0xFFFF  }
0x12b: {  	_ =	shalt  }

</sc_bundles>
